<compile_context>
chip_gen: v7x
topology: tpu7x:2x2x1
jax: 0.10.2.dev20260603
libtpu: 0.0.44.dev20260713+nightly
codegen_flags: <defaults>
</compile_context>

<pallas_src>
import functools

import jax
import jax.numpy as jnp
from jax import lax
from jax.experimental import pallas as pl
from jax.experimental.pallas import tpu as pltpu
from jax.experimental.pallas import tpu_sc as plsc

_NW = 32
_CH = 16384
_NBUF = 2
_LANES = 16


def _sc_body(w_hbm, x_hbm, o_hbm, wv, in0, in1, out0, out1, in_sem, out_sem):
    c = lax.axis_index("c")
    s = lax.axis_index("s")
    wid = s * 2 + c
    per_w = x_hbm.shape[0] // _NW
    base = wid * per_w
    n_chunks = per_w // _CH

    pltpu.sync_copy(w_hbm, wv)
    f2 = wv[...] * wv[...]

    in_bufs = (in0, in1)
    out_bufs = (out0, out1)

    def in_copy(g, b):
        return pltpu.make_async_copy(
            x_hbm.at[pl.ds(base + g * _CH, _CH)], in_bufs[b], in_sem.at[b])

    def out_copy(g, b):
        return pltpu.make_async_copy(
            out_bufs[b], o_hbm.at[pl.ds(base + g * _CH, _CH)], out_sem.at[b])

    for b in range(_NBUF):
        in_copy(b, b).start()

    def outer(g2, carry):
        for b in range(_NBUF):
            g = g2 * _NBUF + b
            in_copy(g, b).wait()

            @pl.when(g2 > 0)
            def _wait_out():
                out_copy(g - _NBUF, b).wait()

            def compute(j, carry2):
                off = j * (16 * _LANES)
                for k in range(16):
                    sl = pl.ds(off + k * _LANES, _LANES)
                    out_bufs[b][sl] = in_bufs[b][sl] * f2
                return carry2

            lax.fori_loop(0, _CH // (16 * _LANES), compute, 0)
            out_copy(g, b).start()

            @pl.when(g + _NBUF < n_chunks)
            def _next_in():
                in_copy(g + _NBUF, b).start()

        return carry

    lax.fori_loop(0, n_chunks // _NBUF, outer, 0)

    for b in range(_NBUF):
        out_copy(n_chunks - _NBUF + b, b).wait()


def kernel(x, multiple_factor_weight):
    b, r, c = x.shape
    n = b * r * c
    x_flat = x.reshape(n)
    w16 = jnp.broadcast_to(multiple_factor_weight.reshape(1), (_LANES,))
    sck = functools.partial(
        pl.kernel,
        out_type=jax.ShapeDtypeStruct((n,), x.dtype),
        mesh=plsc.VectorSubcoreMesh(core_axis_name="c", subcore_axis_name="s"),
        scratch_types=[
            pltpu.VMEM((_LANES,), jnp.float32),
            pltpu.VMEM((_CH,), jnp.float32),
            pltpu.VMEM((_CH,), jnp.float32),
            pltpu.VMEM((_CH,), jnp.float32),
            pltpu.VMEM((_CH,), jnp.float32),
            pltpu.SemaphoreType.DMA((_NBUF,)),
            pltpu.SemaphoreType.DMA((_NBUF,)),
        ],
    )(_sc_body)
    out = sck(w16, x_flat)
    return out.reshape(b, r, c)

# --- scband reference (transcript-rebuilt; emitter-appended) ---
"""Pipeline reference for scband-multiple-model-17051020165528 (READ-ONLY COPY).

The authoritative reference and input builder live on the scoring server;
editing this copy changes nothing except your own understanding.
"""

import jax, jax.numpy as jnp
import numpy as np


def setup_inputs(seed: int = 0) -> dict:
    key = jax.random.key(seed)
    k_x, k_w = jax.random.split(key)
    x = jax.random.normal(k_x, (2, 8192, 4096), dtype=jnp.float32)
    # nn.Embedding(num_embeddings=1, embedding_dim=1) weight, default init ~ N(0,1)
    multiple_factor_weight = jax.random.normal(k_w, (1, 1), dtype=jnp.float32)
    return {"x": x, "multiple_factor_weight": multiple_factor_weight}


def reference(x, multiple_factor_weight):
    # self.multiple_factor(torch.tensor(0)) -> weight[0], shape (1,)
    factor = multiple_factor_weight[0]  # embedding lookup at index 0
    return (factor ** 2) * x

if __name__ == "__main__":
    import jax
    _d = setup_inputs()
    print(jax.jit(kernel)(*tuple(_d.values())))

</pallas_src>

<mosaic_0001>
#map = affine_map<(d0, d1) -> (0)>
module attributes {stable_mosaic.version = 14 : i64} {
  func.func @_sc_body(%arg0: i32, %arg1: i32, %arg2: memref<16xf32, #tpu.memory_space<hbm>>, %arg3: memref<67108864xf32, #tpu.memory_space<hbm>>, %arg4: memref<67108864xf32, #tpu.memory_space<hbm>>, %arg5: memref<16xf32, #tpu.memory_space<vmem>>, %arg6: memref<16384xf32, #tpu.memory_space<vmem>>, %arg7: memref<16384xf32, #tpu.memory_space<vmem>>, %arg8: memref<16384xf32, #tpu.memory_space<vmem>>, %arg9: memref<16384xf32, #tpu.memory_space<vmem>>, %arg10: memref<2x!tpu.dma_semaphore, #tpu.memory_space<semaphore_mem>>, %arg11: memref<2x!tpu.dma_semaphore, #tpu.memory_space<semaphore_mem>>) attributes {dimension_semantics = [#tpu.dimension_semantics<core_parallel>, #tpu.dimension_semantics<subcore_parallel>], iteration_bounds = array<i64: 2, 16>, scalar_prefetch = 0 : i64, scratch_operands = 7 : i64, tpu.core_type = #tpu.core_type<sc_vector_subcore>, window_params = [{transform_indices = #map}, {transform_indices = #map}, {transform_indices = #map}]} {
    %mul3A = arith.constant 2 : i32
    %mul3A_0 = arith.muli %arg1, %mul3A : i32
    %add3A = arith.addi %mul3A_0, %arg0 : i32
    %mul3A_1 = arith.constant 2097152 : i32
    %mul3A_2 = arith.muli %add3A, %mul3A_1 : i32
    "tpu.region"() ({
      %run_scoped3A = tpu.sem_alloc : memref<!tpu.dma_semaphore, #tpu.memory_space<semaphore_mem>>
      tpu.enqueue_dma source(%arg2 : memref<16xf32, #tpu.memory_space<hbm>>) target(%arg5 : memref<16xf32, #tpu.memory_space<vmem>>) target_semaphore(%run_scoped3A : memref<!tpu.dma_semaphore, #tpu.memory_space<semaphore_mem>>)
      tpu.wait_dma2 semaphore(%run_scoped3A : memref<!tpu.dma_semaphore, #tpu.memory_space<semaphore_mem>>) src(%arg2 : memref<16xf32, #tpu.memory_space<hbm>>) dst(%arg5 : memref<16xf32, #tpu.memory_space<vmem>>)
      tpu.yield
    }) : () -> ()
    %get3A = arith.constant 0 : index
    %get3A_3 = tpu.vector_load %arg5[%get3A] {strides = array<i32>} : memref<16xf32, #tpu.memory_space<vmem>>, vector<16xf32>,
    %get3A_4 = vector.shape_cast %get3A_3 : vector<16xf32> to vector<16xf32>
    %get3A_5 = arith.constant 0 : index
    %get3A_6 = tpu.vector_load %arg5[%get3A_5] {strides = array<i32>} : memref<16xf32, #tpu.memory_space<vmem>>, vector<16xf32>,
    %get3A_7 = vector.shape_cast %get3A_6 : vector<16xf32> to vector<16xf32>
    %mul3A_8 = arith.mulf %get3A_4, %get3A_7 : vector<16xf32>
    %add3A_9 = arith.constant 0 : i32
    %add3A_10 = arith.addi %mul3A_2, %add3A_9 : i32
    %dma_start3A = arith.constant 0 : i32
    %dma_start3A_11 = tpu.memref_slice %arg3[%add3A_10] : memref<67108864xf32, #tpu.memory_space<hbm>> -> memref<16384xf32, #tpu.memory_space<hbm>>
    %dma_start3A_12 = tpu.memref_slice %arg10[%dma_start3A] : memref<2x!tpu.dma_semaphore, #tpu.memory_space<semaphore_mem>> -> memref<1x!tpu.dma_semaphore, #tpu.memory_space<semaphore_mem>>
    %dma_start3A_13 = tpu.memref_squeeze %dma_start3A_12 : memref<1x!tpu.dma_semaphore, #tpu.memory_space<semaphore_mem>> -> memref<!tpu.dma_semaphore, #tpu.memory_space<semaphore_mem>>
    %dma_start3A_14 = tpu.memref_slice %arg3[%add3A_10] : memref<67108864xf32, #tpu.memory_space<hbm>> -> memref<16384xf32, #tpu.memory_space<hbm>>
    tpu.enqueue_dma source(%dma_start3A_14 : memref<16384xf32, #tpu.memory_space<hbm>>) target(%arg6 : memref<16384xf32, #tpu.memory_space<vmem>>) target_semaphore(%dma_start3A_13 : memref<!tpu.dma_semaphore, #tpu.memory_space<semaphore_mem>>)
    %add3A_15 = arith.constant 16384 : i32
    %add3A_16 = arith.addi %mul3A_2, %add3A_15 : i32
    %dma_start3A_17 = arith.constant 1 : i32
    %dma_start3A_18 = tpu.memref_slice %arg3[%add3A_16] : memref<67108864xf32, #tpu.memory_space<hbm>> -> memref<16384xf32, #tpu.memory_space<hbm>>
    %dma_start3A_19 = tpu.memref_slice %arg10[%dma_start3A_17] : memref<2x!tpu.dma_semaphore, #tpu.memory_space<semaphore_mem>> -> memref<1x!tpu.dma_semaphore, #tpu.memory_space<semaphore_mem>>
    %dma_start3A_20 = tpu.memref_squeeze %dma_start3A_19 : memref<1x!tpu.dma_semaphore, #tpu.memory_space<semaphore_mem>> -> memref<!tpu.dma_semaphore, #tpu.memory_space<semaphore_mem>>
    %dma_start3A_21 = tpu.memref_slice %arg3[%add3A_16] : memref<67108864xf32, #tpu.memory_space<hbm>> -> memref<16384xf32, #tpu.memory_space<hbm>>
    tpu.enqueue_dma source(%dma_start3A_21 : memref<16384xf32, #tpu.memory_space<hbm>>) target(%arg7 : memref<16384xf32, #tpu.memory_space<vmem>>) target_semaphore(%dma_start3A_20 : memref<!tpu.dma_semaphore, #tpu.memory_space<semaphore_mem>>)
    %scan3A = arith.constant 0 : i32
    %scan3A_22 = arith.constant 0 : i32
    %scan3A_23 = arith.constant 64 : i32
    %scan3A_24 = arith.addi %scan3A_22, %scan3A_23 : i32
    %scan3A_25 = arith.constant 1 : i32
    scf.for %scan3A_40 = %scan3A_22 to %scan3A_24 step %scan3A_25  : i32 {
      %mul3A_41 = arith.constant 2 : i32
      %mul3A_42 = arith.muli %scan3A_40, %mul3A_41 : i32
      %add3A_43 = arith.constant 0 : i32
      %add3A_44 = arith.addi %mul3A_42, %add3A_43 : i32
      %mul3A_45 = arith.constant 16384 : i32
      %mul3A_46 = arith.muli %add3A_44, %mul3A_45 : i32
      %add3A_47 = arith.addi %mul3A_2, %mul3A_46 : i32
      %dma_wait3A_48 = arith.constant 0 : i32
      %dma_wait3A_49 = tpu.memref_slice %arg3[%add3A_47] : memref<67108864xf32, #tpu.memory_space<hbm>> -> memref<16384xf32, #tpu.memory_space<hbm>>
      %dma_wait3A_50 = tpu.memref_slice %arg10[%dma_wait3A_48] : memref<2x!tpu.dma_semaphore, #tpu.memory_space<semaphore_mem>> -> memref<1x!tpu.dma_semaphore, #tpu.memory_space<semaphore_mem>>
      %dma_wait3A_51 = tpu.memref_squeeze %dma_wait3A_50 : memref<1x!tpu.dma_semaphore, #tpu.memory_space<semaphore_mem>> -> memref<!tpu.dma_semaphore, #tpu.memory_space<semaphore_mem>>
      %dma_wait3A_52 = tpu.memref_slice %arg3[%add3A_47] : memref<67108864xf32, #tpu.memory_space<hbm>> -> memref<16384xf32, #tpu.memory_space<hbm>>
      tpu.wait_dma2 semaphore(%dma_wait3A_51 : memref<!tpu.dma_semaphore, #tpu.memory_space<semaphore_mem>>) src(%dma_wait3A_52 : memref<16384xf32, #tpu.memory_space<hbm>>) dst(%arg6 : memref<16384xf32, #tpu.memory_space<vmem>>)
      %gt3A = arith.constant 0 : i32
      %gt3A_53 = arith.cmpi sgt, %scan3A_40, %gt3A : i32
      %convert_element_type3A = arith.extui %gt3A_53 : i1 to i32
      %cond3A = arith.constant 0 : i32
      %cond3A_54 = arith.cmpi ne, %convert_element_type3A, %cond3A : i32
      scf.if %cond3A_54 {
        %sub3A = arith.constant 2 : i32
        %sub3A_113 = arith.subi %add3A_44, %sub3A : i32
        %mul3A_114 = arith.constant 16384 : i32
        %mul3A_115 = arith.muli %sub3A_113, %mul3A_114 : i32
        %add3A_116 = arith.addi %mul3A_2, %mul3A_115 : i32
        %dma_wait3A_117 = arith.constant 0 : i32
        %dma_wait3A_118 = tpu.memref_slice %arg4[%add3A_116] : memref<67108864xf32, #tpu.memory_space<hbm>> -> memref<16384xf32, #tpu.memory_space<hbm>>
        %dma_wait3A_119 = tpu.memref_slice %arg11[%dma_wait3A_117] : memref<2x!tpu.dma_semaphore, #tpu.memory_space<semaphore_mem>> -> memref<1x!tpu.dma_semaphore, #tpu.memory_space<semaphore_mem>>
        %dma_wait3A_120 = tpu.memref_squeeze %dma_wait3A_119 : memref<1x!tpu.dma_semaphore, #tpu.memory_space<semaphore_mem>> -> memref<!tpu.dma_semaphore, #tpu.memory_space<semaphore_mem>>
        %dma_wait3A_121 = tpu.memref_slice %arg4[%add3A_116] : memref<67108864xf32, #tpu.memory_space<hbm>> -> memref<16384xf32, #tpu.memory_space<hbm>>
        tpu.wait_dma2 semaphore(%dma_wait3A_120 : memref<!tpu.dma_semaphore, #tpu.memory_space<semaphore_mem>>) src(%arg8 : memref<16384xf32, #tpu.memory_space<vmem>>) dst(%dma_wait3A_121 : memref<16384xf32, #tpu.memory_space<hbm>>)
      } else {
      }
      %scan3A_55 = arith.constant 0 : i32
      %scan3A_56 = arith.constant 0 : i32
      %scan3A_57 = arith.constant 64 : i32
      %scan3A_58 = arith.addi %scan3A_56, %scan3A_57 : i32
      %scan3A_59 = arith.constant 1 : i32
      scf.for %scan3A_113 = %scan3A_56 to %scan3A_58 step %scan3A_59  : i32 {
        %mul3A_114 = arith.constant 256 : i32
        %mul3A_115 = arith.muli %scan3A_113, %mul3A_114 : i32
        %add3A_116 = arith.constant 0 : i32
        %add3A_117 = arith.addi %mul3A_115, %add3A_116 : i32
        %get3A_118 = arith.index_cast %add3A_117 : i32 to index
        %get3A_119 = tpu.vector_load %arg6[%get3A_118] {strides = array<i32>} : memref<16384xf32, #tpu.memory_space<vmem>>, vector<16xf32>,
        %get3A_120 = vector.shape_cast %get3A_119 : vector<16xf32> to vector<16xf32>
        %mul3A_121 = arith.mulf %get3A_120, %mul3A_8 : vector<16xf32>
        %swap3A = arith.index_cast %add3A_117 : i32 to index
        %swap3A_122 = tpu.vector_load %arg8[%swap3A] {strides = array<i32>} : memref<16384xf32, #tpu.memory_space<vmem>>, vector<16xf32>,
        %swap3A_123 = vector.shape_cast %swap3A_122 : vector<16xf32> to vector<16xf32>
        %swap3A_124 = vector.shape_cast %mul3A_121 : vector<16xf32> to vector<16xf32>
        tpu.vector_store %arg8[%swap3A], %swap3A_124 {strides = array<i32>} : memref<16384xf32, #tpu.memory_space<vmem>>, vector<16xf32>,
        %add3A_125 = arith.constant 16 : i32
        %add3A_126 = arith.addi %mul3A_115, %add3A_125 : i32
        %get3A_127 = arith.index_cast %add3A_126 : i32 to index
        %get3A_128 = tpu.vector_load %arg6[%get3A_127] {strides = array<i32>} : memref<16384xf32, #tpu.memory_space<vmem>>, vector<16xf32>,
        %get3A_129 = vector.shape_cast %get3A_128 : vector<16xf32> to vector<16xf32>
        %mul3A_130 = arith.mulf %get3A_129, %mul3A_8 : vector<16xf32>
        %swap3A_131 = arith.index_cast %add3A_126 : i32 to index
        %swap3A_132 = tpu.vector_load %arg8[%swap3A_131] {strides = array<i32>} : memref<16384xf32, #tpu.memory_space<vmem>>, vector<16xf32>,
        %swap3A_133 = vector.shape_cast %swap3A_132 : vector<16xf32> to vector<16xf32>
        %swap3A_134 = vector.shape_cast %mul3A_130 : vector<16xf32> to vector<16xf32>
        tpu.vector_store %arg8[%swap3A_131], %swap3A_134 {strides = array<i32>} : memref<16384xf32, #tpu.memory_space<vmem>>, vector<16xf32>,
        %add3A_135 = arith.constant 32 : i32
        %add3A_136 = arith.addi %mul3A_115, %add3A_135 : i32
        %get3A_137 = arith.index_cast %add3A_136 : i32 to index
        %get3A_138 = tpu.vector_load %arg6[%get3A_137] {strides = array<i32>} : memref<16384xf32, #tpu.memory_space<vmem>>, vector<16xf32>,
        %get3A_139 = vector.shape_cast %get3A_138 : vector<16xf32> to vector<16xf32>
        %mul3A_140 = arith.mulf %get3A_139, %mul3A_8 : vector<16xf32>
        %swap3A_141 = arith.index_cast %add3A_136 : i32 to index
        %swap3A_142 = tpu.vector_load %arg8[%swap3A_141] {strides = array<i32>} : memref<16384xf32, #tpu.memory_space<vmem>>, vector<16xf32>,
        %swap3A_143 = vector.shape_cast %swap3A_142 : vector<16xf32> to vector<16xf32>
        %swap3A_144 = vector.shape_cast %mul3A_140 : vector<16xf32> to vector<16xf32>
        tpu.vector_store %arg8[%swap3A_141], %swap3A_144 {strides = array<i32>} : memref<16384xf32, #tpu.memory_space<vmem>>, vector<16xf32>,
        %add3A_145 = arith.constant 48 : i32
        %add3A_146 = arith.addi %mul3A_115, %add3A_145 : i32
        %get3A_147 = arith.index_cast %add3A_146 : i32 to index
        %get3A_148 = tpu.vector_load %arg6[%get3A_147] {strides = array<i32>} : memref<16384xf32, #tpu.memory_space<vmem>>, vector<16xf32>,
        %get3A_149 = vector.shape_cast %get3A_148 : vector<16xf32> to vector<16xf32>
        %mul3A_150 = arith.mulf %get3A_149, %mul3A_8 : vector<16xf32>
        %swap3A_151 = arith.index_cast %add3A_146 : i32 to index
        %swap3A_152 = tpu.vector_load %arg8[%swap3A_151] {strides = array<i32>} : memref<16384xf32, #tpu.memory_space<vmem>>, vector<16xf32>,
        %swap3A_153 = vector.shape_cast %swap3A_152 : vector<16xf32> to vector<16xf32>
        %swap3A_154 = vector.shape_cast %mul3A_150 : vector<16xf32> to vector<16xf32>
        tpu.vector_store %arg8[%swap3A_151], %swap3A_154 {strides = array<i32>} : memref<16384xf32, #tpu.memory_space<vmem>>, vector<16xf32>,
        %add3A_155 = arith.constant 64 : i32
        %add3A_156 = arith.addi %mul3A_115, %add3A_155 : i32
        %get3A_157 = arith.index_cast %add3A_156 : i32 to index
        %get3A_158 = tpu.vector_load %arg6[%get3A_157] {strides = array<i32>} : memref<16384xf32, #tpu.memory_space<vmem>>, vector<16xf32>,
        %get3A_159 = vector.shape_cast %get3A_158 : vector<16xf32> to vector<16xf32>
        %mul3A_160 = arith.mulf %get3A_159, %mul3A_8 : vector<16xf32>
        %swap3A_161 = arith.index_cast %add3A_156 : i32 to index
        %swap3A_162 = tpu.vector_load %arg8[%swap3A_161] {strides = array<i32>} : memref<16384xf32, #tpu.memory_space<vmem>>, vector<16xf32>,
        %swap3A_163 = vector.shape_cast %swap3A_162 : vector<16xf32> to vector<16xf32>
        %swap3A_164 = vector.shape_cast %mul3A_160 : vector<16xf32> to vector<16xf32>
        tpu.vector_store %arg8[%swap3A_161], %swap3A_164 {strides = array<i32>} : memref<16384xf32, #tpu.memory_space<vmem>>, vector<16xf32>,
        %add3A_165 = arith.constant 80 : i32
        %add3A_166 = arith.addi %mul3A_115, %add3A_165 : i32
        %get3A_167 = arith.index_cast %add3A_166 : i32 to index
        %get3A_168 = tpu.vector_load %arg6[%get3A_167] {strides = array<i32>} : memref<16384xf32, #tpu.memory_space<vmem>>, vector<16xf32>,
        %get3A_169 = vector.shape_cast %get3A_168 : vector<16xf32> to vector<16xf32>
        %mul3A_170 = arith.mulf %get3A_169, %mul3A_8 : vector<16xf32>
        %swap3A_171 = arith.index_cast %add3A_166 : i32 to index
        %swap3A_172 = tpu.vector_load %arg8[%swap3A_171] {strides = array<i32>} : memref<16384xf32, #tpu.memory_space<vmem>>, vector<16xf32>,
        %swap3A_173 = vector.shape_cast %swap3A_172 : vector<16xf32> to vector<16xf32>
        %swap3A_174 = vector.shape_cast %mul3A_170 : vector<16xf32> to vector<16xf32>
        tpu.vector_store %arg8[%swap3A_171], %swap3A_174 {strides = array<i32>} : memref<16384xf32, #tpu.memory_space<vmem>>, vector<16xf32>,
        %add3A_175 = arith.constant 96 : i32
        %add3A_176 = arith.addi %mul3A_115, %add3A_175 : i32
        %get3A_177 = arith.index_cast %add3A_176 : i32 to index
        %get3A_178 = tpu.vector_load %arg6[%get3A_177] {strides = array<i32>} : memref<16384xf32, #tpu.memory_space<vmem>>, vector<16xf32>,
        %get3A_179 = vector.shape_cast %get3A_178 : vector<16xf32> to vector<16xf32>
        %mul3A_180 = arith.mulf %get3A_179, %mul3A_8 : vector<16xf32>
        %swap3A_181 = arith.index_cast %add3A_176 : i32 to index
        %swap3A_182 = tpu.vector_load %arg8[%swap3A_181] {strides = array<i32>} : memref<16384xf32, #tpu.memory_space<vmem>>, vector<16xf32>,
        %swap3A_183 = vector.shape_cast %swap3A_182 : vector<16xf32> to vector<16xf32>
        %swap3A_184 = vector.shape_cast %mul3A_180 : vector<16xf32> to vector<16xf32>
        tpu.vector_store %arg8[%swap3A_181], %swap3A_184 {strides = array<i32>} : memref<16384xf32, #tpu.memory_space<vmem>>, vector<16xf32>,
        %add3A_185 = arith.constant 112 : i32
        %add3A_186 = arith.addi %mul3A_115, %add3A_185 : i32
        %get3A_187 = arith.index_cast %add3A_186 : i32 to index
        %get3A_188 = tpu.vector_load %arg6[%get3A_187] {strides = array<i32>} : memref<16384xf32, #tpu.memory_space<vmem>>, vector<16xf32>,
        %get3A_189 = vector.shape_cast %get3A_188 : vector<16xf32> to vector<16xf32>
        %mul3A_190 = arith.mulf %get3A_189, %mul3A_8 : vector<16xf32>
        %swap3A_191 = arith.index_cast %add3A_186 : i32 to index
        %swap3A_192 = tpu.vector_load %arg8[%swap3A_191] {strides = array<i32>} : memref<16384xf32, #tpu.memory_space<vmem>>, vector<16xf32>,
        %swap3A_193 = vector.shape_cast %swap3A_192 : vector<16xf32> to vector<16xf32>
        %swap3A_194 = vector.shape_cast %mul3A_190 : vector<16xf32> to vector<16xf32>
        tpu.vector_store %arg8[%swap3A_191], %swap3A_194 {strides = array<i32>} : memref<16384xf32, #tpu.memory_space<vmem>>, vector<16xf32>,
        %add3A_195 = arith.constant 128 : i32
        %add3A_196 = arith.addi %mul3A_115, %add3A_195 : i32
        %get3A_197 = arith.index_cast %add3A_196 : i32 to index
        %get3A_198 = tpu.vector_load %arg6[%get3A_197] {strides = array<i32>} : memref<16384xf32, #tpu.memory_space<vmem>>, vector<16xf32>,
        %get3A_199 = vector.shape_cast %get3A_198 : vector<16xf32> to vector<16xf32>
        %mul3A_200 = arith.mulf %get3A_199, %mul3A_8 : vector<16xf32>
        %swap3A_201 = arith.index_cast %add3A_196 : i32 to index
        %swap3A_202 = tpu.vector_load %arg8[%swap3A_201] {strides = array<i32>} : memref<16384xf32, #tpu.memory_space<vmem>>, vector<16xf32>,
        %swap3A_203 = vector.shape_cast %swap3A_202 : vector<16xf32> to vector<16xf32>
        %swap3A_204 = vector.shape_cast %mul3A_200 : vector<16xf32> to vector<16xf32>
        tpu.vector_store %arg8[%swap3A_201], %swap3A_204 {strides = array<i32>} : memref<16384xf32, #tpu.memory_space<vmem>>, vector<16xf32>,
        %add3A_205 = arith.constant 144 : i32
        %add3A_206 = arith.addi %mul3A_115, %add3A_205 : i32
        %get3A_207 = arith.index_cast %add3A_206 : i32 to index
        %get3A_208 = tpu.vector_load %arg6[%get3A_207] {strides = array<i32>} : memref<16384xf32, #tpu.memory_space<vmem>>, vector<16xf32>,
        %get3A_209 = vector.shape_cast %get3A_208 : vector<16xf32> to vector<16xf32>
        %mul3A_210 = arith.mulf %get3A_209, %mul3A_8 : vector<16xf32>
        %swap3A_211 = arith.index_cast %add3A_206 : i32 to index
        %swap3A_212 = tpu.vector_load %arg8[%swap3A_211] {strides = array<i32>} : memref<16384xf32, #tpu.memory_space<vmem>>, vector<16xf32>,
        %swap3A_213 = vector.shape_cast %swap3A_212 : vector<16xf32> to vector<16xf32>
        %swap3A_214 = vector.shape_cast %mul3A_210 : vector<16xf32> to vector<16xf32>
        tpu.vector_store %arg8[%swap3A_211], %swap3A_214 {strides = array<i32>} : memref<16384xf32, #tpu.memory_space<vmem>>, vector<16xf32>,
        %add3A_215 = arith.constant 160 : i32
        %add3A_216 = arith.addi %mul3A_115, %add3A_215 : i32
        %get3A_217 = arith.index_cast %add3A_216 : i32 to index
        %get3A_218 = tpu.vector_load %arg6[%get3A_217] {strides = array<i32>} : memref<16384xf32, #tpu.memory_space<vmem>>, vector<16xf32>,
        %get3A_219 = vector.shape_cast %get3A_218 : vector<16xf32> to vector<16xf32>
        %mul3A_220 = arith.mulf %get3A_219, %mul3A_8 : vector<16xf32>
        %swap3A_221 = arith.index_cast %add3A_216 : i32 to index
        %swap3A_222 = tpu.vector_load %arg8[%swap3A_221] {strides = array<i32>} : memref<16384xf32, #tpu.memory_space<vmem>>, vector<16xf32>,
        %swap3A_223 = vector.shape_cast %swap3A_222 : vector<16xf32> to vector<16xf32>
        %swap3A_224 = vector.shape_cast %mul3A_220 : vector<16xf32> to vector<16xf32>
        tpu.vector_store %arg8[%swap3A_221], %swap3A_224 {strides = array<i32>} : memref<16384xf32, #tpu.memory_space<vmem>>, vector<16xf32>,
        %add3A_225 = arith.constant 176 : i32
        %add3A_226 = arith.addi %mul3A_115, %add3A_225 : i32
        %get3A_227 = arith.index_cast %add3A_226 : i32 to index
        %get3A_228 = tpu.vector_load %arg6[%get3A_227] {strides = array<i32>} : memref<16384xf32, #tpu.memory_space<vmem>>, vector<16xf32>,
        %get3A_229 = vector.shape_cast %get3A_228 : vector<16xf32> to vector<16xf32>
        %mul3A_230 = arith.mulf %get3A_229, %mul3A_8 : vector<16xf32>
        %swap3A_231 = arith.index_cast %add3A_226 : i32 to index
        %swap3A_232 = tpu.vector_load %arg8[%swap3A_231] {strides = array<i32>} : memref<16384xf32, #tpu.memory_space<vmem>>, vector<16xf32>,
        %swap3A_233 = vector.shape_cast %swap3A_232 : vector<16xf32> to vector<16xf32>
        %swap3A_234 = vector.shape_cast %mul3A_230 : vector<16xf32> to vector<16xf32>
        tpu.vector_store %arg8[%swap3A_231], %swap3A_234 {strides = array<i32>} : memref<16384xf32, #tpu.memory_space<vmem>>, vector<16xf32>,
        %add3A_235 = arith.constant 192 : i32
        %add3A_236 = arith.addi %mul3A_115, %add3A_235 : i32
        %get3A_237 = arith.index_cast %add3A_236 : i32 to index
        %get3A_238 = tpu.vector_load %arg6[%get3A_237] {strides = array<i32>} : memref<16384xf32, #tpu.memory_space<vmem>>, vector<16xf32>,
        %get3A_239 = vector.shape_cast %get3A_238 : vector<16xf32> to vector<16xf32>
        %mul3A_240 = arith.mulf %get3A_239, %mul3A_8 : vector<16xf32>
        %swap3A_241 = arith.index_cast %add3A_236 : i32 to index
        %swap3A_242 = tpu.vector_load %arg8[%swap3A_241] {strides = array<i32>} : memref<16384xf32, #tpu.memory_space<vmem>>, vector<16xf32>,
        %swap3A_243 = vector.shape_cast %swap3A_242 : vector<16xf32> to vector<16xf32>
        %swap3A_244 = vector.shape_cast %mul3A_240 : vector<16xf32> to vector<16xf32>
        tpu.vector_store %arg8[%swap3A_241], %swap3A_244 {strides = array<i32>} : memref<16384xf32, #tpu.memory_space<vmem>>, vector<16xf32>,
        %add3A_245 = arith.constant 208 : i32
        %add3A_246 = arith.addi %mul3A_115, %add3A_245 : i32
        %get3A_247 = arith.index_cast %add3A_246 : i32 to index
        %get3A_248 = tpu.vector_load %arg6[%get3A_247] {strides = array<i32>} : memref<16384xf32, #tpu.memory_space<vmem>>, vector<16xf32>,
        %get3A_249 = vector.shape_cast %get3A_248 : vector<16xf32> to vector<16xf32>
        %mul3A_250 = arith.mulf %get3A_249, %mul3A_8 : vector<16xf32>
        %swap3A_251 = arith.index_cast %add3A_246 : i32 to index
        %swap3A_252 = tpu.vector_load %arg8[%swap3A_251] {strides = array<i32>} : memref<16384xf32, #tpu.memory_space<vmem>>, vector<16xf32>,
        %swap3A_253 = vector.shape_cast %swap3A_252 : vector<16xf32> to vector<16xf32>
        %swap3A_254 = vector.shape_cast %mul3A_250 : vector<16xf32> to vector<16xf32>
        tpu.vector_store %arg8[%swap3A_251], %swap3A_254 {strides = array<i32>} : memref<16384xf32, #tpu.memory_space<vmem>>, vector<16xf32>,
        %add3A_255 = arith.constant 224 : i32
        %add3A_256 = arith.addi %mul3A_115, %add3A_255 : i32
        %get3A_257 = arith.index_cast %add3A_256 : i32 to index
        %get3A_258 = tpu.vector_load %arg6[%get3A_257] {strides = array<i32>} : memref<16384xf32, #tpu.memory_space<vmem>>, vector<16xf32>,
        %get3A_259 = vector.shape_cast %get3A_258 : vector<16xf32> to vector<16xf32>
        %mul3A_260 = arith.mulf %get3A_259, %mul3A_8 : vector<16xf32>
        %swap3A_261 = arith.index_cast %add3A_256 : i32 to index
        %swap3A_262 = tpu.vector_load %arg8[%swap3A_261] {strides = array<i32>} : memref<16384xf32, #tpu.memory_space<vmem>>, vector<16xf32>,
        %swap3A_263 = vector.shape_cast %swap3A_262 : vector<16xf32> to vector<16xf32>
        %swap3A_264 = vector.shape_cast %mul3A_260 : vector<16xf32> to vector<16xf32>
        tpu.vector_store %arg8[%swap3A_261], %swap3A_264 {strides = array<i32>} : memref<16384xf32, #tpu.memory_space<vmem>>, vector<16xf32>,
        %add3A_265 = arith.constant 240 : i32
        %add3A_266 = arith.addi %mul3A_115, %add3A_265 : i32
        %get3A_267 = arith.index_cast %add3A_266 : i32 to index
        %get3A_268 = tpu.vector_load %arg6[%get3A_267] {strides = array<i32>} : memref<16384xf32, #tpu.memory_space<vmem>>, vector<16xf32>,
        %get3A_269 = vector.shape_cast %get3A_268 : vector<16xf32> to vector<16xf32>
        %mul3A_270 = arith.mulf %get3A_269, %mul3A_8 : vector<16xf32>
        %swap3A_271 = arith.index_cast %add3A_266 : i32 to index
        %swap3A_272 = tpu.vector_load %arg8[%swap3A_271] {strides = array<i32>} : memref<16384xf32, #tpu.memory_space<vmem>>, vector<16xf32>,
        %swap3A_273 = vector.shape_cast %swap3A_272 : vector<16xf32> to vector<16xf32>
        %swap3A_274 = vector.shape_cast %mul3A_270 : vector<16xf32> to vector<16xf32>
        tpu.vector_store %arg8[%swap3A_271], %swap3A_274 {strides = array<i32>} : memref<16384xf32, #tpu.memory_space<vmem>>, vector<16xf32>,
      }
      %scan3A_60 = arith.constant 64 : i32
      %mul3A_61 = arith.constant 16384 : i32
      %mul3A_62 = arith.muli %add3A_44, %mul3A_61 : i32
      %add3A_63 = arith.addi %mul3A_2, %mul3A_62 : i32
      %dma_start3A_64 = arith.constant 0 : i32
      %dma_start3A_65 = tpu.memref_slice %arg4[%add3A_63] : memref<67108864xf32, #tpu.memory_space<hbm>> -> memref<16384xf32, #tpu.memory_space<hbm>>
      %dma_start3A_66 = tpu.memref_slice %arg11[%dma_start3A_64] : memref<2x!tpu.dma_semaphore, #tpu.memory_space<semaphore_mem>> -> memref<1x!tpu.dma_semaphore, #tpu.memory_space<semaphore_mem>>
      %dma_start3A_67 = tpu.memref_squeeze %dma_start3A_66 : memref<1x!tpu.dma_semaphore, #tpu.memory_space<semaphore_mem>> -> memref<!tpu.dma_semaphore, #tpu.memory_space<semaphore_mem>>
      %dma_start3A_68 = tpu.memref_slice %arg4[%add3A_63] : memref<67108864xf32, #tpu.memory_space<hbm>> -> memref<16384xf32, #tpu.memory_space<hbm>>
      tpu.enqueue_dma source(%arg8 : memref<16384xf32, #tpu.memory_space<vmem>>) target(%dma_start3A_68 : memref<16384xf32, #tpu.memory_space<hbm>>) target_semaphore(%dma_start3A_67 : memref<!tpu.dma_semaphore, #tpu.memory_space<semaphore_mem>>)
      %add3A_69 = arith.constant 2 : i32
      %add3A_70 = arith.addi %add3A_44, %add3A_69 : i32
      %lt3A = arith.constant 128 : i32
      %lt3A_71 = arith.cmpi slt, %add3A_70, %lt3A : i32
      %convert_element_type3A_72 = arith.extui %lt3A_71 : i1 to i32
      %cond3A_73 = arith.constant 0 : i32
      %cond3A_74 = arith.cmpi ne, %convert_element_type3A_72, %cond3A_73 : i32
      scf.if %cond3A_74 {
        %add3A_113 = arith.constant 2 : i32
        %add3A_114 = arith.addi %add3A_44, %add3A_113 : i32
        %mul3A_115 = arith.constant 16384 : i32
        %mul3A_116 = arith.muli %add3A_114, %mul3A_115 : i32
        %add3A_117 = arith.addi %mul3A_2, %mul3A_116 : i32
        %dma_start3A_118 = arith.constant 0 : i32
        %dma_start3A_119 = tpu.memref_slice %arg3[%add3A_117] : memref<67108864xf32, #tpu.memory_space<hbm>> -> memref<16384xf32, #tpu.memory_space<hbm>>
        %dma_start3A_120 = tpu.memref_slice %arg10[%dma_start3A_118] : memref<2x!tpu.dma_semaphore, #tpu.memory_space<semaphore_mem>> -> memref<1x!tpu.dma_semaphore, #tpu.memory_space<semaphore_mem>>
        %dma_start3A_121 = tpu.memref_squeeze %dma_start3A_120 : memref<1x!tpu.dma_semaphore, #tpu.memory_space<semaphore_mem>> -> memref<!tpu.dma_semaphore, #tpu.memory_space<semaphore_mem>>
        %dma_start3A_122 = tpu.memref_slice %arg3[%add3A_117] : memref<67108864xf32, #tpu.memory_space<hbm>> -> memref<16384xf32, #tpu.memory_space<hbm>>
        tpu.enqueue_dma source(%dma_start3A_122 : memref<16384xf32, #tpu.memory_space<hbm>>) target(%arg6 : memref<16384xf32, #tpu.memory_space<vmem>>) target_semaphore(%dma_start3A_121 : memref<!tpu.dma_semaphore, #tpu.memory_space<semaphore_mem>>)
      } else {
      }
      %mul3A_75 = arith.constant 2 : i32
      %mul3A_76 = arith.muli %scan3A_40, %mul3A_75 : i32
      %add3A_77 = arith.constant 1 : i32
      %add3A_78 = arith.addi %mul3A_76, %add3A_77 : i32
      %mul3A_79 = arith.constant 16384 : i32
      %mul3A_80 = arith.muli %add3A_78, %mul3A_79 : i32
      %add3A_81 = arith.addi %mul3A_2, %mul3A_80 : i32
      %dma_wait3A_82 = arith.constant 1 : i32
      %dma_wait3A_83 = tpu.memref_slice %arg3[%add3A_81] : memref<67108864xf32, #tpu.memory_space<hbm>> -> memref<16384xf32, #tpu.memory_space<hbm>>
      %dma_wait3A_84 = tpu.memref_slice %arg10[%dma_wait3A_82] : memref<2x!tpu.dma_semaphore, #tpu.memory_space<semaphore_mem>> -> memref<1x!tpu.dma_semaphore, #tpu.memory_space<semaphore_mem>>
      %dma_wait3A_85 = tpu.memref_squeeze %dma_wait3A_84 : memref<1x!tpu.dma_semaphore, #tpu.memory_space<semaphore_mem>> -> memref<!tpu.dma_semaphore, #tpu.memory_space<semaphore_mem>>
      %dma_wait3A_86 = tpu.memref_slice %arg3[%add3A_81] : memref<67108864xf32, #tpu.memory_space<hbm>> -> memref<16384xf32, #tpu.memory_space<hbm>>
      tpu.wait_dma2 semaphore(%dma_wait3A_85 : memref<!tpu.dma_semaphore, #tpu.memory_space<semaphore_mem>>) src(%dma_wait3A_86 : memref<16384xf32, #tpu.memory_space<hbm>>) dst(%arg7 : memref<16384xf32, #tpu.memory_space<vmem>>)
      %gt3A_87 = arith.constant 0 : i32
      %gt3A_88 = arith.cmpi sgt, %scan3A_40, %gt3A_87 : i32
      %convert_element_type3A_89 = arith.extui %gt3A_88 : i1 to i32
      %cond3A_90 = arith.constant 0 : i32
      %cond3A_91 = arith.cmpi ne, %convert_element_type3A_89, %cond3A_90 : i32
      scf.if %cond3A_91 {
        %sub3A = arith.constant 2 : i32
        %sub3A_113 = arith.subi %add3A_78, %sub3A : i32
        %mul3A_114 = arith.constant 16384 : i32
        %mul3A_115 = arith.muli %sub3A_113, %mul3A_114 : i32
        %add3A_116 = arith.addi %mul3A_2, %mul3A_115 : i32
        %dma_wait3A_117 = arith.constant 1 : i32
        %dma_wait3A_118 = tpu.memref_slice %arg4[%add3A_116] : memref<67108864xf32, #tpu.memory_space<hbm>> -> memref<16384xf32, #tpu.memory_space<hbm>>
        %dma_wait3A_119 = tpu.memref_slice %arg11[%dma_wait3A_117] : memref<2x!tpu.dma_semaphore, #tpu.memory_space<semaphore_mem>> -> memref<1x!tpu.dma_semaphore, #tpu.memory_space<semaphore_mem>>
        %dma_wait3A_120 = tpu.memref_squeeze %dma_wait3A_119 : memref<1x!tpu.dma_semaphore, #tpu.memory_space<semaphore_mem>> -> memref<!tpu.dma_semaphore, #tpu.memory_space<semaphore_mem>>
        %dma_wait3A_121 = tpu.memref_slice %arg4[%add3A_116] : memref<67108864xf32, #tpu.memory_space<hbm>> -> memref<16384xf32, #tpu.memory_space<hbm>>
        tpu.wait_dma2 semaphore(%dma_wait3A_120 : memref<!tpu.dma_semaphore, #tpu.memory_space<semaphore_mem>>) src(%arg9 : memref<16384xf32, #tpu.memory_space<vmem>>) dst(%dma_wait3A_121 : memref<16384xf32, #tpu.memory_space<hbm>>)
      } else {
      }
      %scan3A_92 = arith.constant 0 : i32
      %scan3A_93 = arith.constant 0 : i32
      %scan3A_94 = arith.constant 64 : i32
      %scan3A_95 = arith.addi %scan3A_93, %scan3A_94 : i32
      %scan3A_96 = arith.constant 1 : i32
      scf.for %scan3A_113 = %scan3A_93 to %scan3A_95 step %scan3A_96  : i32 {
        %mul3A_114 = arith.constant 256 : i32
        %mul3A_115 = arith.muli %scan3A_113, %mul3A_114 : i32
        %add3A_116 = arith.constant 0 : i32
        %add3A_117 = arith.addi %mul3A_115, %add3A_116 : i32
        %get3A_118 = arith.index_cast %add3A_117 : i32 to index
        %get3A_119 = tpu.vector_load %arg7[%get3A_118] {strides = array<i32>} : memref<16384xf32, #tpu.memory_space<vmem>>, vector<16xf32>,
        %get3A_120 = vector.shape_cast %get3A_119 : vector<16xf32> to vector<16xf32>
        %mul3A_121 = arith.mulf %get3A_120, %mul3A_8 : vector<16xf32>
        %swap3A = arith.index_cast %add3A_117 : i32 to index
        %swap3A_122 = tpu.vector_load %arg9[%swap3A] {strides = array<i32>} : memref<16384xf32, #tpu.memory_space<vmem>>, vector<16xf32>,
        %swap3A_123 = vector.shape_cast %swap3A_122 : vector<16xf32> to vector<16xf32>
        %swap3A_124 = vector.shape_cast %mul3A_121 : vector<16xf32> to vector<16xf32>
        tpu.vector_store %arg9[%swap3A], %swap3A_124 {strides = array<i32>} : memref<16384xf32, #tpu.memory_space<vmem>>, vector<16xf32>,
        %add3A_125 = arith.constant 16 : i32
        %add3A_126 = arith.addi %mul3A_115, %add3A_125 : i32
        %get3A_127 = arith.index_cast %add3A_126 : i32 to index
        %get3A_128 = tpu.vector_load %arg7[%get3A_127] {strides = array<i32>} : memref<16384xf32, #tpu.memory_space<vmem>>, vector<16xf32>,
        %get3A_129 = vector.shape_cast %get3A_128 : vector<16xf32> to vector<16xf32>
        %mul3A_130 = arith.mulf %get3A_129, %mul3A_8 : vector<16xf32>
        %swap3A_131 = arith.index_cast %add3A_126 : i32 to index
        %swap3A_132 = tpu.vector_load %arg9[%swap3A_131] {strides = array<i32>} : memref<16384xf32, #tpu.memory_space<vmem>>, vector<16xf32>,
        %swap3A_133 = vector.shape_cast %swap3A_132 : vector<16xf32> to vector<16xf32>
        %swap3A_134 = vector.shape_cast %mul3A_130 : vector<16xf32> to vector<16xf32>
        tpu.vector_store %arg9[%swap3A_131], %swap3A_134 {strides = array<i32>} : memref<16384xf32, #tpu.memory_space<vmem>>, vector<16xf32>,
        %add3A_135 = arith.constant 32 : i32
        %add3A_136 = arith.addi %mul3A_115, %add3A_135 : i32
        %get3A_137 = arith.index_cast %add3A_136 : i32 to index
        %get3A_138 = tpu.vector_load %arg7[%get3A_137] {strides = array<i32>} : memref<16384xf32, #tpu.memory_space<vmem>>, vector<16xf32>,
        %get3A_139 = vector.shape_cast %get3A_138 : vector<16xf32> to vector<16xf32>
        %mul3A_140 = arith.mulf %get3A_139, %mul3A_8 : vector<16xf32>
        %swap3A_141 = arith.index_cast %add3A_136 : i32 to index
        %swap3A_142 = tpu.vector_load %arg9[%swap3A_141] {strides = array<i32>} : memref<16384xf32, #tpu.memory_space<vmem>>, vector<16xf32>,
        %swap3A_143 = vector.shape_cast %swap3A_142 : vector<16xf32> to vector<16xf32>
        %swap3A_144 = vector.shape_cast %mul3A_140 : vector<16xf32> to vector<16xf32>
        tpu.vector_store %arg9[%swap3A_141], %swap3A_144 {strides = array<i32>} : memref<16384xf32, #tpu.memory_space<vmem>>, vector<16xf32>,
        %add3A_145 = arith.constant 48 : i32
        %add3A_146 = arith.addi %mul3A_115, %add3A_145 : i32
        %get3A_147 = arith.index_cast %add3A_146 : i32 to index
        %get3A_148 = tpu.vector_load %arg7[%get3A_147] {strides = array<i32>} : memref<16384xf32, #tpu.memory_space<vmem>>, vector<16xf32>,
        %get3A_149 = vector.shape_cast %get3A_148 : vector<16xf32> to vector<16xf32>
        %mul3A_150 = arith.mulf %get3A_149, %mul3A_8 : vector<16xf32>
        %swap3A_151 = arith.index_cast %add3A_146 : i32 to index
        %swap3A_152 = tpu.vector_load %arg9[%swap3A_151] {strides = array<i32>} : memref<16384xf32, #tpu.memory_space<vmem>>, vector<16xf32>,
        %swap3A_153 = vector.shape_cast %swap3A_152 : vector<16xf32> to vector<16xf32>
        %swap3A_154 = vector.shape_cast %mul3A_150 : vector<16xf32> to vector<16xf32>
        tpu.vector_store %arg9[%swap3A_151], %swap3A_154 {strides = array<i32>} : memref<16384xf32, #tpu.memory_space<vmem>>, vector<16xf32>,
        %add3A_155 = arith.constant 64 : i32
        %add3A_156 = arith.addi %mul3A_115, %add3A_155 : i32
        %get3A_157 = arith.index_cast %add3A_156 : i32 to index
        %get3A_158 = tpu.vector_load %arg7[%get3A_157] {strides = array<i32>} : memref<16384xf32, #tpu.memory_space<vmem>>, vector<16xf32>,
        %get3A_159 = vector.shape_cast %get3A_158 : vector<16xf32> to vector<16xf32>
        %mul3A_160 = arith.mulf %get3A_159, %mul3A_8 : vector<16xf32>
        %swap3A_161 = arith.index_cast %add3A_156 : i32 to index
        %swap3A_162 = tpu.vector_load %arg9[%swap3A_161] {strides = array<i32>} : memref<16384xf32, #tpu.memory_space<vmem>>, vector<16xf32>,
        %swap3A_163 = vector.shape_cast %swap3A_162 : vector<16xf32> to vector<16xf32>
        %swap3A_164 = vector.shape_cast %mul3A_160 : vector<16xf32> to vector<16xf32>
        tpu.vector_store %arg9[%swap3A_161], %swap3A_164 {strides = array<i32>} : memref<16384xf32, #tpu.memory_space<vmem>>, vector<16xf32>,
        %add3A_165 = arith.constant 80 : i32
        %add3A_166 = arith.addi %mul3A_115, %add3A_165 : i32
        %get3A_167 = arith.index_cast %add3A_166 : i32 to index
        %get3A_168 = tpu.vector_load %arg7[%get3A_167] {strides = array<i32>} : memref<16384xf32, #tpu.memory_space<vmem>>, vector<16xf32>,
        %get3A_169 = vector.shape_cast %get3A_168 : vector<16xf32> to vector<16xf32>
        %mul3A_170 = arith.mulf %get3A_169, %mul3A_8 : vector<16xf32>
        %swap3A_171 = arith.index_cast %add3A_166 : i32 to index
        %swap3A_172 = tpu.vector_load %arg9[%swap3A_171] {strides = array<i32>} : memref<16384xf32, #tpu.memory_space<vmem>>, vector<16xf32>,
        %swap3A_173 = vector.shape_cast %swap3A_172 : vector<16xf32> to vector<16xf32>
        %swap3A_174 = vector.shape_cast %mul3A_170 : vector<16xf32> to vector<16xf32>
        tpu.vector_store %arg9[%swap3A_171], %swap3A_174 {strides = array<i32>} : memref<16384xf32, #tpu.memory_space<vmem>>, vector<16xf32>,
        %add3A_175 = arith.constant 96 : i32
        %add3A_176 = arith.addi %mul3A_115, %add3A_175 : i32
        %get3A_177 = arith.index_cast %add3A_176 : i32 to index
        %get3A_178 = tpu.vector_load %arg7[%get3A_177] {strides = array<i32>} : memref<16384xf32, #tpu.memory_space<vmem>>, vector<16xf32>,
        %get3A_179 = vector.shape_cast %get3A_178 : vector<16xf32> to vector<16xf32>
        %mul3A_180 = arith.mulf %get3A_179, %mul3A_8 : vector<16xf32>
        %swap3A_181 = arith.index_cast %add3A_176 : i32 to index
        %swap3A_182 = tpu.vector_load %arg9[%swap3A_181] {strides = array<i32>} : memref<16384xf32, #tpu.memory_space<vmem>>, vector<16xf32>,
        %swap3A_183 = vector.shape_cast %swap3A_182 : vector<16xf32> to vector<16xf32>
        %swap3A_184 = vector.shape_cast %mul3A_180 : vector<16xf32> to vector<16xf32>
        tpu.vector_store %arg9[%swap3A_181], %swap3A_184 {strides = array<i32>} : memref<16384xf32, #tpu.memory_space<vmem>>, vector<16xf32>,
        %add3A_185 = arith.constant 112 : i32
        %add3A_186 = arith.addi %mul3A_115, %add3A_185 : i32
        %get3A_187 = arith.index_cast %add3A_186 : i32 to index
        %get3A_188 = tpu.vector_load %arg7[%get3A_187] {strides = array<i32>} : memref<16384xf32, #tpu.memory_space<vmem>>, vector<16xf32>,
        %get3A_189 = vector.shape_cast %get3A_188 : vector<16xf32> to vector<16xf32>
        %mul3A_190 = arith.mulf %get3A_189, %mul3A_8 : vector<16xf32>
        %swap3A_191 = arith.index_cast %add3A_186 : i32 to index
        %swap3A_192 = tpu.vector_load %arg9[%swap3A_191] {strides = array<i32>} : memref<16384xf32, #tpu.memory_space<vmem>>, vector<16xf32>,
        %swap3A_193 = vector.shape_cast %swap3A_192 : vector<16xf32> to vector<16xf32>
        %swap3A_194 = vector.shape_cast %mul3A_190 : vector<16xf32> to vector<16xf32>
        tpu.vector_store %arg9[%swap3A_191], %swap3A_194 {strides = array<i32>} : memref<16384xf32, #tpu.memory_space<vmem>>, vector<16xf32>,
        %add3A_195 = arith.constant 128 : i32
        %add3A_196 = arith.addi %mul3A_115, %add3A_195 : i32
        %get3A_197 = arith.index_cast %add3A_196 : i32 to index
        %get3A_198 = tpu.vector_load %arg7[%get3A_197] {strides = array<i32>} : memref<16384xf32, #tpu.memory_space<vmem>>, vector<16xf32>,
        %get3A_199 = vector.shape_cast %get3A_198 : vector<16xf32> to vector<16xf32>
        %mul3A_200 = arith.mulf %get3A_199, %mul3A_8 : vector<16xf32>
        %swap3A_201 = arith.index_cast %add3A_196 : i32 to index
        %swap3A_202 = tpu.vector_load %arg9[%swap3A_201] {strides = array<i32>} : memref<16384xf32, #tpu.memory_space<vmem>>, vector<16xf32>,
        %swap3A_203 = vector.shape_cast %swap3A_202 : vector<16xf32> to vector<16xf32>
        %swap3A_204 = vector.shape_cast %mul3A_200 : vector<16xf32> to vector<16xf32>
        tpu.vector_store %arg9[%swap3A_201], %swap3A_204 {strides = array<i32>} : memref<16384xf32, #tpu.memory_space<vmem>>, vector<16xf32>,
        %add3A_205 = arith.constant 144 : i32
        %add3A_206 = arith.addi %mul3A_115, %add3A_205 : i32
        %get3A_207 = arith.index_cast %add3A_206 : i32 to index
        %get3A_208 = tpu.vector_load %arg7[%get3A_207] {strides = array<i32>} : memref<16384xf32, #tpu.memory_space<vmem>>, vector<16xf32>,
        %get3A_209 = vector.shape_cast %get3A_208 : vector<16xf32> to vector<16xf32>
        %mul3A_210 = arith.mulf %get3A_209, %mul3A_8 : vector<16xf32>
        %swap3A_211 = arith.index_cast %add3A_206 : i32 to index
        %swap3A_212 = tpu.vector_load %arg9[%swap3A_211] {strides = array<i32>} : memref<16384xf32, #tpu.memory_space<vmem>>, vector<16xf32>,
        %swap3A_213 = vector.shape_cast %swap3A_212 : vector<16xf32> to vector<16xf32>
        %swap3A_214 = vector.shape_cast %mul3A_210 : vector<16xf32> to vector<16xf32>
        tpu.vector_store %arg9[%swap3A_211], %swap3A_214 {strides = array<i32>} : memref<16384xf32, #tpu.memory_space<vmem>>, vector<16xf32>,
        %add3A_215 = arith.constant 160 : i32
        %add3A_216 = arith.addi %mul3A_115, %add3A_215 : i32
        %get3A_217 = arith.index_cast %add3A_216 : i32 to index
        %get3A_218 = tpu.vector_load %arg7[%get3A_217] {strides = array<i32>} : memref<16384xf32, #tpu.memory_space<vmem>>, vector<16xf32>,
        %get3A_219 = vector.shape_cast %get3A_218 : vector<16xf32> to vector<16xf32>
        %mul3A_220 = arith.mulf %get3A_219, %mul3A_8 : vector<16xf32>
        %swap3A_221 = arith.index_cast %add3A_216 : i32 to index
        %swap3A_222 = tpu.vector_load %arg9[%swap3A_221] {strides = array<i32>} : memref<16384xf32, #tpu.memory_space<vmem>>, vector<16xf32>,
        %swap3A_223 = vector.shape_cast %swap3A_222 : vector<16xf32> to vector<16xf32>
        %swap3A_224 = vector.shape_cast %mul3A_220 : vector<16xf32> to vector<16xf32>
        tpu.vector_store %arg9[%swap3A_221], %swap3A_224 {strides = array<i32>} : memref<16384xf32, #tpu.memory_space<vmem>>, vector<16xf32>,
        %add3A_225 = arith.constant 176 : i32
        %add3A_226 = arith.addi %mul3A_115, %add3A_225 : i32
        %get3A_227 = arith.index_cast %add3A_226 : i32 to index
        %get3A_228 = tpu.vector_load %arg7[%get3A_227] {strides = array<i32>} : memref<16384xf32, #tpu.memory_space<vmem>>, vector<16xf32>,
        %get3A_229 = vector.shape_cast %get3A_228 : vector<16xf32> to vector<16xf32>
        %mul3A_230 = arith.mulf %get3A_229, %mul3A_8 : vector<16xf32>
        %swap3A_231 = arith.index_cast %add3A_226 : i32 to index
        %swap3A_232 = tpu.vector_load %arg9[%swap3A_231] {strides = array<i32>} : memref<16384xf32, #tpu.memory_space<vmem>>, vector<16xf32>,
        %swap3A_233 = vector.shape_cast %swap3A_232 : vector<16xf32> to vector<16xf32>
        %swap3A_234 = vector.shape_cast %mul3A_230 : vector<16xf32> to vector<16xf32>
        tpu.vector_store %arg9[%swap3A_231], %swap3A_234 {strides = array<i32>} : memref<16384xf32, #tpu.memory_space<vmem>>, vector<16xf32>,
        %add3A_235 = arith.constant 192 : i32
        %add3A_236 = arith.addi %mul3A_115, %add3A_235 : i32
        %get3A_237 = arith.index_cast %add3A_236 : i32 to index
        %get3A_238 = tpu.vector_load %arg7[%get3A_237] {strides = array<i32>} : memref<16384xf32, #tpu.memory_space<vmem>>, vector<16xf32>,
        %get3A_239 = vector.shape_cast %get3A_238 : vector<16xf32> to vector<16xf32>
        %mul3A_240 = arith.mulf %get3A_239, %mul3A_8 : vector<16xf32>
        %swap3A_241 = arith.index_cast %add3A_236 : i32 to index
        %swap3A_242 = tpu.vector_load %arg9[%swap3A_241] {strides = array<i32>} : memref<16384xf32, #tpu.memory_space<vmem>>, vector<16xf32>,
        %swap3A_243 = vector.shape_cast %swap3A_242 : vector<16xf32> to vector<16xf32>
        %swap3A_244 = vector.shape_cast %mul3A_240 : vector<16xf32> to vector<16xf32>
        tpu.vector_store %arg9[%swap3A_241], %swap3A_244 {strides = array<i32>} : memref<16384xf32, #tpu.memory_space<vmem>>, vector<16xf32>,
        %add3A_245 = arith.constant 208 : i32
        %add3A_246 = arith.addi %mul3A_115, %add3A_245 : i32
        %get3A_247 = arith.index_cast %add3A_246 : i32 to index
        %get3A_248 = tpu.vector_load %arg7[%get3A_247] {strides = array<i32>} : memref<16384xf32, #tpu.memory_space<vmem>>, vector<16xf32>,
        %get3A_249 = vector.shape_cast %get3A_248 : vector<16xf32> to vector<16xf32>
        %mul3A_250 = arith.mulf %get3A_249, %mul3A_8 : vector<16xf32>
        %swap3A_251 = arith.index_cast %add3A_246 : i32 to index
        %swap3A_252 = tpu.vector_load %arg9[%swap3A_251] {strides = array<i32>} : memref<16384xf32, #tpu.memory_space<vmem>>, vector<16xf32>,
        %swap3A_253 = vector.shape_cast %swap3A_252 : vector<16xf32> to vector<16xf32>
        %swap3A_254 = vector.shape_cast %mul3A_250 : vector<16xf32> to vector<16xf32>
        tpu.vector_store %arg9[%swap3A_251], %swap3A_254 {strides = array<i32>} : memref<16384xf32, #tpu.memory_space<vmem>>, vector<16xf32>,
        %add3A_255 = arith.constant 224 : i32
        %add3A_256 = arith.addi %mul3A_115, %add3A_255 : i32
        %get3A_257 = arith.index_cast %add3A_256 : i32 to index
        %get3A_258 = tpu.vector_load %arg7[%get3A_257] {strides = array<i32>} : memref<16384xf32, #tpu.memory_space<vmem>>, vector<16xf32>,
        %get3A_259 = vector.shape_cast %get3A_258 : vector<16xf32> to vector<16xf32>
        %mul3A_260 = arith.mulf %get3A_259, %mul3A_8 : vector<16xf32>
        %swap3A_261 = arith.index_cast %add3A_256 : i32 to index
        %swap3A_262 = tpu.vector_load %arg9[%swap3A_261] {strides = array<i32>} : memref<16384xf32, #tpu.memory_space<vmem>>, vector<16xf32>,
        %swap3A_263 = vector.shape_cast %swap3A_262 : vector<16xf32> to vector<16xf32>
        %swap3A_264 = vector.shape_cast %mul3A_260 : vector<16xf32> to vector<16xf32>
        tpu.vector_store %arg9[%swap3A_261], %swap3A_264 {strides = array<i32>} : memref<16384xf32, #tpu.memory_space<vmem>>, vector<16xf32>,
        %add3A_265 = arith.constant 240 : i32
        %add3A_266 = arith.addi %mul3A_115, %add3A_265 : i32
        %get3A_267 = arith.index_cast %add3A_266 : i32 to index
        %get3A_268 = tpu.vector_load %arg7[%get3A_267] {strides = array<i32>} : memref<16384xf32, #tpu.memory_space<vmem>>, vector<16xf32>,
        %get3A_269 = vector.shape_cast %get3A_268 : vector<16xf32> to vector<16xf32>
        %mul3A_270 = arith.mulf %get3A_269, %mul3A_8 : vector<16xf32>
        %swap3A_271 = arith.index_cast %add3A_266 : i32 to index
        %swap3A_272 = tpu.vector_load %arg9[%swap3A_271] {strides = array<i32>} : memref<16384xf32, #tpu.memory_space<vmem>>, vector<16xf32>,
        %swap3A_273 = vector.shape_cast %swap3A_272 : vector<16xf32> to vector<16xf32>
        %swap3A_274 = vector.shape_cast %mul3A_270 : vector<16xf32> to vector<16xf32>
        tpu.vector_store %arg9[%swap3A_271], %swap3A_274 {strides = array<i32>} : memref<16384xf32, #tpu.memory_space<vmem>>, vector<16xf32>,
      }
      %scan3A_97 = arith.constant 64 : i32
      %mul3A_98 = arith.constant 16384 : i32
      %mul3A_99 = arith.muli %add3A_78, %mul3A_98 : i32
      %add3A_100 = arith.addi %mul3A_2, %mul3A_99 : i32
      %dma_start3A_101 = arith.constant 1 : i32
      %dma_start3A_102 = tpu.memref_slice %arg4[%add3A_100] : memref<67108864xf32, #tpu.memory_space<hbm>> -> memref<16384xf32, #tpu.memory_space<hbm>>
      %dma_start3A_103 = tpu.memref_slice %arg11[%dma_start3A_101] : memref<2x!tpu.dma_semaphore, #tpu.memory_space<semaphore_mem>> -> memref<1x!tpu.dma_semaphore, #tpu.memory_space<semaphore_mem>>
      %dma_start3A_104 = tpu.memref_squeeze %dma_start3A_103 : memref<1x!tpu.dma_semaphore, #tpu.memory_space<semaphore_mem>> -> memref<!tpu.dma_semaphore, #tpu.memory_space<semaphore_mem>>
      %dma_start3A_105 = tpu.memref_slice %arg4[%add3A_100] : memref<67108864xf32, #tpu.memory_space<hbm>> -> memref<16384xf32, #tpu.memory_space<hbm>>
      tpu.enqueue_dma source(%arg9 : memref<16384xf32, #tpu.memory_space<vmem>>) target(%dma_start3A_105 : memref<16384xf32, #tpu.memory_space<hbm>>) target_semaphore(%dma_start3A_104 : memref<!tpu.dma_semaphore, #tpu.memory_space<semaphore_mem>>)
      %add3A_106 = arith.constant 2 : i32
      %add3A_107 = arith.addi %add3A_78, %add3A_106 : i32
      %lt3A_108 = arith.constant 128 : i32
      %lt3A_109 = arith.cmpi slt, %add3A_107, %lt3A_108 : i32
      %convert_element_type3A_110 = arith.extui %lt3A_109 : i1 to i32
      %cond3A_111 = arith.constant 0 : i32
      %cond3A_112 = arith.cmpi ne, %convert_element_type3A_110, %cond3A_111 : i32
      scf.if %cond3A_112 {
        %add3A_113 = arith.constant 2 : i32
        %add3A_114 = arith.addi %add3A_78, %add3A_113 : i32
        %mul3A_115 = arith.constant 16384 : i32
        %mul3A_116 = arith.muli %add3A_114, %mul3A_115 : i32
        %add3A_117 = arith.addi %mul3A_2, %mul3A_116 : i32
        %dma_start3A_118 = arith.constant 1 : i32
        %dma_start3A_119 = tpu.memref_slice %arg3[%add3A_117] : memref<67108864xf32, #tpu.memory_space<hbm>> -> memref<16384xf32, #tpu.memory_space<hbm>>
        %dma_start3A_120 = tpu.memref_slice %arg10[%dma_start3A_118] : memref<2x!tpu.dma_semaphore, #tpu.memory_space<semaphore_mem>> -> memref<1x!tpu.dma_semaphore, #tpu.memory_space<semaphore_mem>>
        %dma_start3A_121 = tpu.memref_squeeze %dma_start3A_120 : memref<1x!tpu.dma_semaphore, #tpu.memory_space<semaphore_mem>> -> memref<!tpu.dma_semaphore, #tpu.memory_space<semaphore_mem>>
        %dma_start3A_122 = tpu.memref_slice %arg3[%add3A_117] : memref<67108864xf32, #tpu.memory_space<hbm>> -> memref<16384xf32, #tpu.memory_space<hbm>>
        tpu.enqueue_dma source(%dma_start3A_122 : memref<16384xf32, #tpu.memory_space<hbm>>) target(%arg7 : memref<16384xf32, #tpu.memory_space<vmem>>) target_semaphore(%dma_start3A_121 : memref<!tpu.dma_semaphore, #tpu.memory_space<semaphore_mem>>)
      } else {
      }
    }
    %scan3A_26 = arith.constant 64 : i32
    %add3A_27 = arith.constant 2064384 : i32
    %add3A_28 = arith.addi %mul3A_2, %add3A_27 : i32
    %dma_wait3A = arith.constant 0 : i32
    %dma_wait3A_29 = tpu.memref_slice %arg4[%add3A_28] : memref<67108864xf32, #tpu.memory_space<hbm>> -> memref<16384xf32, #tpu.memory_space<hbm>>
    %dma_wait3A_30 = tpu.memref_slice %arg11[%dma_wait3A] : memref<2x!tpu.dma_semaphore, #tpu.memory_space<semaphore_mem>> -> memref<1x!tpu.dma_semaphore, #tpu.memory_space<semaphore_mem>>
    %dma_wait3A_31 = tpu.memref_squeeze %dma_wait3A_30 : memref<1x!tpu.dma_semaphore, #tpu.memory_space<semaphore_mem>> -> memref<!tpu.dma_semaphore, #tpu.memory_space<semaphore_mem>>
    %dma_wait3A_32 = tpu.memref_slice %arg4[%add3A_28] : memref<67108864xf32, #tpu.memory_space<hbm>> -> memref<16384xf32, #tpu.memory_space<hbm>>
    tpu.wait_dma2 semaphore(%dma_wait3A_31 : memref<!tpu.dma_semaphore, #tpu.memory_space<semaphore_mem>>) src(%arg8 : memref<16384xf32, #tpu.memory_space<vmem>>) dst(%dma_wait3A_32 : memref<16384xf32, #tpu.memory_space<hbm>>)
    %add3A_33 = arith.constant 2080768 : i32
    %add3A_34 = arith.addi %mul3A_2, %add3A_33 : i32
    %dma_wait3A_35 = arith.constant 1 : i32
    %dma_wait3A_36 = tpu.memref_slice %arg4[%add3A_34] : memref<67108864xf32, #tpu.memory_space<hbm>> -> memref<16384xf32, #tpu.memory_space<hbm>>
    %dma_wait3A_37 = tpu.memref_slice %arg11[%dma_wait3A_35] : memref<2x!tpu.dma_semaphore, #tpu.memory_space<semaphore_mem>> -> memref<1x!tpu.dma_semaphore, #tpu.memory_space<semaphore_mem>>
    %dma_wait3A_38 = tpu.memref_squeeze %dma_wait3A_37 : memref<1x!tpu.dma_semaphore, #tpu.memory_space<semaphore_mem>> -> memref<!tpu.dma_semaphore, #tpu.memory_space<semaphore_mem>>
    %dma_wait3A_39 = tpu.memref_slice %arg4[%add3A_34] : memref<67108864xf32, #tpu.memory_space<hbm>> -> memref<16384xf32, #tpu.memory_space<hbm>>
    tpu.wait_dma2 semaphore(%dma_wait3A_38 : memref<!tpu.dma_semaphore, #tpu.memory_space<semaphore_mem>>) src(%arg9 : memref<16384xf32, #tpu.memory_space<vmem>>) dst(%dma_wait3A_39 : memref<16384xf32, #tpu.memory_space<hbm>>)
    return
  }
}

</mosaic_0001>

<sc_bundles>
// kernel: kernel.3.cloned.1.call-start
scs
__scs_entry_jumppad:
0x0: {  	(pc) =	sbr.rel $0x88, $3  }
0x1: {  	(tag) =	ssettag $0x0;
	lr =	simm.s32 $0x1  }
0x2: {  	[smem:$0x3F9F] =	sst lr;
	_ =	strace $0xD0000000  }
0x3: {  	_ = 	snop  }
0x4: {  	_ = 	snop  }
0x5: {  	_ = 	snop  }
0x6: {  	_ = 	snop  }
0x7: {  	_ = 	snop  }
__scs_overlays_trampoline_lowered:
0x8: {  	[smem:$0x3FAE] =	sst s0  }
0x9: {  	[smem:$0x3FAF] =	sst s1  }
0xa: {  	[smem:$0x3FB0] =	sst s2  }
0xb: {  	[smem:$0x3FB1] =	sst s3  }
0xc: {  	[smem:$0x3FB2] =	sst s4  }
0xd: {  	[smem:$0x3FB3] =	sst s5  }
0xe: {  	[smem:$0x3FB4] =	sst s6  }
0xf: {  	[smem:$0x3FB5] =	sst s7  }
0x10: {  	[smem:$0x3FB6] =	sst s8  }
0x11: {  	[smem:$0x3FB7] =	sst s9;
	s0 =	simm.s32 @!p0 $0x0  }
0x12: {  	s1 =	sld [smem:$0x3F9D];
	s0 =	simm.s32 @p0 $0x1  }
0x13: {  	[smem:$0x3FB8] =	sst s0;
	s0 =	simm.s32 @!p1 $0x0  }
0x14: {  	s2 =	sld [smem:$0x3F9C];
	s0 =	simm.s32 @p1 $0x1  }
0x15: {  	[smem:$0x3FB9] =	sst s0;
	s0 =	simm.s32 @!p2 $0x0  }
0x16: {  	s3 =	sld [smem:$0x3FDB];
	s0 =	simm.s32 @p2 $0x1  }
0x17: {  	s4 =	simm.s32 $0x1BF5;
	[smem:$0x3FBB] =	sst s0  }
0x18: {  	s0 =	sld [smem:$0x3F9E];
	_ =	swait.ge [sflag:s4], $0x0  }
0x19: {  	s7 =	sld [smem:$0x3F9F]  }
0x1a: {  	s8 =	sadd.s32 $0xFFFFE003, lr  }
0x1b: {  	s9 =	sadd.s32 $0xFFFFFEF7, lr;
	s5 =	simm.s32 $0xFFFFFFFF;
	p2 =	slt.u32 s8, $0xFFFFF086  }
0x1c: {  	p1 =	slt.u32 s9, $0xF7A;
	s5 =	simm.s32 @!p2 $0x0  }
0x1d: {  	s5 =	simm.s32 @p1 $0x1;
	p0 =	seq.s32 s7, s2  }
0x1e: {  	s7 =	smul.u32 @!p0 $0xF7A, s2;
	p2 =	seq.s32 @!p0 s5, $0x0  }
0x1f: {  	s9 =	smul.u32 $0xF7A, s1;
	s8 =	simm.s32 @!p0 $0x1BF5;
	p2 =	por !p2, p0  }
0x20: {  	[sflag:s8] =	ssyncset.s32 @!p0 $0xFFFFF086;
	s6 =	sadd.s32 @!p0 s3, s7;
	s7 =	simm.s32 @!p0 $0x108  }
0x21: {  	s3 =	sadd.s32 s3, s9;
	s6 =	sadd.s32 @!p0 $0x88, s6;
	s7 =	simm.s32 @p2 $0x1082  }
0x22: {  	[simem:s7], [sflag:s8] =	dma.local @!p0 [hbm:s6], $0xF7A  }
0x23: {  	s9 =	sor.u32 $0xD0000000, s2;
	s6 =	simm.s32 $0x108;
	_ =	swait.ge @!p0 [sflag:s8], $0x0  }
0x24: {  	s3 =	sadd.s32 $0x88, s3;
	s6 =	simm.s32 @!p1 $0x1082;
	[sflag:s4] =	ssyncset.s32 $0xFFFFF086  }
0x25: {  	[simem:s6], [sflag:s4] =	dma.local [hbm:s3], $0xF7A  }
0x26: {  	[smem:$0x3F9F] =	sst s1;
	(tag) =	ssettag s2;
	_ =	strace s9  }
0x27: {  	s1 =	sld [smem:$0x3FAF]  }
0x28: {  	s2 =	sld [smem:$0x3FB0]  }
0x29: {  	s4 =	sld [smem:$0x3FB2]  }
0x2a: {  	p0 =	seq.s32 s5, $0x0;
	s5 =	sld [smem:$0x3FB3]  }
0x2b: {  	s6 =	sld [smem:$0x3FB4]  }
0x2c: {  	s7 =	sld [smem:$0x3FB5]  }
0x2d: {  	s3 =	simm.s32 $0x108;
	s8 =	sld [smem:$0x3FB6]  }
0x2e: {  	s3 =	simm.s32 @!p0 $0x1082;
	s9 =	sld [smem:$0x3FB7]  }
0x2f: {  	lr =	sadd.s32 s0, s3;
	s0 =	sld [smem:$0x3FAE]  }
0x30: {  	s3 =	sld [smem:$0x3FB1]  }
0x31: {  	[smem:$0x3FBA] =	sst s10  }
0x32: {  	s10 =	sld [smem:$0x3FB8];
	_ =	sdelay $0x3  }
0x33: {  	p0 =	seq.s32 s10, $0x1;
	s10 =	sld [smem:$0x3FBA];
	_ =	sdelay $0x3  }
0x34: {  	[smem:$0x3FBA] =	sst s10  }
0x35: {  	s10 =	sld [smem:$0x3FB9];
	_ =	sdelay $0x3  }
0x36: {  	p1 =	seq.s32 s10, $0x1;
	s10 =	sld [smem:$0x3FBA];
	_ =	sdelay $0x3  }
0x37: {  	[smem:$0x3FBA] =	sst s10  }
0x38: {  	s10 =	sld [smem:$0x3FBB]  }
0x39: {  	_ = 	snop;
	(pc) =	sbr.ind lr, $3  }
0x3a: {  	_ = 	snop  }
0x3b: {  	_ = 	snop  }
0x3c: {  	p2 =	seq.s32 s10, $0x1;
	s10 =	sld [smem:$0x3FBA]  }
0x3d: {  	_ =	shalt  }
0x3e: {  	_ =	shalt  }
0x3f: {  	_ =	shalt  }
0x40: {  	_ =	shalt  }
0x41: {  	_ =	shalt  }
0x42: {  	_ =	shalt  }
0x43: {  	_ =	shalt  }
0x44: {  	_ =	shalt  }
0x45: {  	_ =	shalt  }
0x46: {  	_ =	shalt  }
0x47: {  	_ =	shalt  }
0x48: {  	_ =	shalt  }
0x49: {  	_ =	shalt  }
0x4a: {  	_ =	shalt  }
0x4b: {  	_ =	shalt  }
0x4c: {  	_ =	shalt  }
0x4d: {  	_ =	shalt  }
0x4e: {  	_ =	shalt  }
0x4f: {  	_ =	shalt  }
0x50: {  	_ =	shalt  }
0x51: {  	_ =	shalt  }
0x52: {  	_ =	shalt  }
0x53: {  	_ =	shalt  }
0x54: {  	_ =	shalt  }
0x55: {  	_ =	shalt  }
0x56: {  	_ =	shalt  }
0x57: {  	_ =	shalt  }
0x58: {  	_ =	shalt  }
0x59: {  	_ =	shalt  }
0x5a: {  	_ =	shalt  }
0x5b: {  	_ =	shalt  }
0x5c: {  	_ =	shalt  }
0x5d: {  	_ =	shalt  }
0x5e: {  	_ =	shalt  }
0x5f: {  	_ =	shalt  }
0x60: {  	_ =	shalt  }
0x61: {  	_ =	shalt  }
0x62: {  	_ =	shalt  }
0x63: {  	_ =	shalt  }
0x64: {  	_ =	shalt  }
0x65: {  	_ =	shalt  }
0x66: {  	_ =	shalt  }
0x67: {  	_ =	shalt  }
0x68: {  	_ =	shalt  }
0x69: {  	_ =	shalt  }
0x6a: {  	_ =	shalt  }
0x6b: {  	_ =	shalt  }
0x6c: {  	_ =	shalt  }
0x6d: {  	_ =	shalt  }
0x6e: {  	_ =	shalt  }
0x6f: {  	_ =	shalt  }
0x70: {  	_ =	shalt  }
0x71: {  	_ =	shalt  }
0x72: {  	_ =	shalt  }
0x73: {  	_ =	shalt  }
0x74: {  	_ =	shalt  }
0x75: {  	_ =	shalt  }
0x76: {  	_ =	shalt  }
0x77: {  	_ =	shalt  }
0x78: {  	_ =	shalt  }
0x79: {  	_ =	shalt  }
0x7a: {  	_ =	shalt  }
0x7b: {  	_ =	shalt  }
0x7c: {  	_ =	shalt  }
0x7d: {  	_ =	shalt  }
0x7e: {  	_ =	shalt  }
0x7f: {  	_ =	shalt  }
0x80: {  	_ =	shalt  }
0x81: {  	_ =	shalt  }
0x82: {  	_ =	shalt  }
0x83: {  	_ =	shalt  }
0x84: {  	_ =	shalt  }
0x85: {  	_ =	shalt  }
0x86: {  	_ =	shalt  }
0x87: {  	_ =	shalt  }
.Lfunc_end0:
.L_simem_size_0:
called_computation.1_lowered:
.L_overlay_start_0:
0x88: {  	s2 =	sld [smem:$0x3FD9]  }
0x89: {  	s3 =	sld [smem:$0x3FFE];
	_ =	sdelay $0x1  }
0x8a: {  	s1 =	srdreg.scid  }
0x8b: {  	s0 =	sand.u32 $0x1, s1  }
0x8c: {  	s17 =	sshll.u32 s0, $0xA;
	s2 =	sadd.s32 s3, s2  }
0x8d: {  	s2 =	sadd.s32 s2, s17  }
0x8e: {  	[smem:$0x3FC6] =	sst s2  }
0x8f: {  	_ = 	snop  }
0x90: {  	s2 =	sld [smem:$0x3FD0];
	(tm) =	ssettm $0x1  }
0x91: {  	s18 =	sld [smem:$0x3FFB];
	_ =	sdelay $0x3  }
0x92: {  	_ =	strace s18  }
0x93: {  	s3 =	sld [smem:$0x3FFC];
	_ =	sdelay $0x3  }
0x94: {  	_ =	strace s3  }
0x95: {  	s3 =	sld [smem:$0x3FFD];
	_ =	sdelay $0x3  }
0x96: {  	_ =	strace s3  }
0x97: {  	_ =	strace $0x8FFFFFFF  }
0x98: {  	s19 =	sld [smem:$0x3FDB];
	_ =	sdelay $0x1  }
0x99: {  	s4 =	simm.s32 $_scs_section_size  }
0x9a: {  	s5 =	simm.s32 $_size__tile_overlayer_lowered;
	s6 =	simm.s32 $_tile_overlayer_lowered  }
0x9b: {  	s22 =	simm.s32 $0x1BFF;
	s21 =	sshll.u32 s6, $0x1;
	s3 =	sadd.s32 s4, s19  }
0x9c: {  	s7 =	simm.s32 $0x0;
	s20 =	sshll.u32 s5, $0x1;
	s5 =	sadd.s32 s21, s3  }
0x9d: {  	[timem:s7], [sflag:s22] =	dma.local [hbm:s5], s20  }
0x9e: {  	_ =	swait.ge [sflag:s22], s20  }
0x9f: {  	s4 =	ssub.s32 $0x0, s20;
	[sflag:s22] =	ssyncset.done $0x0  }
0xa0: {  	[sflag:s22] =	ssyncadd.s32 s4;
	_ =	sdelay $0x1  }
0xa1: {  	s23 =	simm.s32 $0x1B8B  }
0xa2: {  	_ =	swait.ge [sflag:s23], $0x1  }
0xa3: {  	[sflag:s23] =	ssyncset.done $0x0  }
0xa4: {  	s25 =	simm.s32 $0x1B8E;
	s24 =	sld [smem:$0x3FFE];
	[sflag:s23] =	ssyncadd.s32 $0xFFFFFFFF  }
0xa5: {  	s26 =	simm.s32 $execute0_lowered;
	[smem:$0x3FD2] =	sst s25  }
0xa6: {  	s5 =	sshll.u32 s26, $0x1;
	_ =	strace $0x80000049;
	[dreg:$0x1] =	wrdreg $0xFFFFFFFF  }
0xa7: {  	s28 =	simm.s32 $_size_execute0_lowered;
	s3 =	sadd.s32 s3, s5;
	[dreg:$0x0] =	wrdreg $0x0  }
0xa8: {  	s5 =	sshll.u32 s28, $0x1;
	[dreg:$0x2] =	wrdreg s3  }
0xa9: {  	[dreg:$0x3] =	wrdreg s5  }
0xaa: {  	[dreg:$0x4] =	wrdreg $0xC0  }
0xab: {  	_ =	task [dreg:s7], $0x5FFFF  }
0xac: {  	[dreg:$0x1] =	wrdreg $0xFFFFFFFF  }
0xad: {  	[dreg:$0x0] =	wrdreg $0x60  }
0xae: {  	[dreg:$0x2] =	wrdreg s24  }
0xaf: {  	[dreg:$0x3] =	wrdreg s2  }
0xb0: {  	[dreg:$0x4] =	wrdreg $0x9  }
0xb1: {  	_ =	task.clear_ibuf [dreg:s7], $0x5FFFF;
	_ =	strace $0x90000049  }
0xb2: {  	s29 =	simm.s32 $0x9;
	_ =	strace $0x8000004B  }
0xb3: {  	_ =	swait.ge [sflag:s29], $0x1  }
0xb4: {  	[sflag:s29] =	ssyncadd.s32 $0xFFFFFFFF  }
0xb5: {  	_ =	strace $0x9000004B  }
0xb6: {  	_ =	sfence  }
0xb7: {  	s30 =	sld [smem:$0x0];
	_ =	sdelay $0x2  }
0xb8: {  	s31 =	sshll.u32 s1, $0xD;
	s1 =	sshrl.u32 s1, $0x2  }
0xb9: {  	s3 =	sand.u32 $0x4000, s31;
	s1 =	sadd.s32 s1, s30  }
0xba: {  	s0 =	sor.u32 s3, s0;
	s1 =	sshll.u32 s1, $0x11  }
0xbb: {  	s0 =	sor.u32 s1, s0  }
0xbc: {  	s0 =	sadd.s32 $0x8F2B, s0  }
0xbd: {  	[sflag:s0] =	ssyncadd.remote.s32 $0x1  }
0xbe: {  	_ =	sfence.sel $0xFFFF  }
0xbf: {  	[dreg:$0x0] =	wrdreg $0xFFFFFFFF;
	(pc) =	sbr.abs _section_cstart, $3  }
0xc0: {  	[dreg:$0x1] =	wrdreg $0xFFFFFFFF  }
0xc1: {  	_ =	task.clear_ibuf [dreg:s7], $0x2FFFF;
	_ =	strace $0x9FFFFFFF  }
0xc2: {  	(tm) =	ssettm $0x7FFFFFFF  }
0xc3: {  	_ =	shalt  }
tec
execute0_lowered:
.L_overlay_start_1:
0x0: {  	(tag) =	ssettag $0x1  }
0x1: {  	s6 =	rddreg [dreg:$0x0]  }
0x2: {  	s2 =	rddreg [dreg:$0x1]  }
0x3: {  	s0 =	rddreg [dreg:$0x2];
	s4 =	srdreg.scid  }
0x4: {  	s3 =	simm.s32 $0x0;
	s1 =	stileid.u32;
	s12 =	simm.s32 $0x5  }
0x5: {  	s13 =	simm.s32 $0x80;
	s14 =	simm.s32 $0x4080;
	s15 =	simm.s32 $0x1  }
0x6: {  	s16 =	simm.s32 $0x8080;
	s17 =	simm.s32 $0x2;
	s18 =	simm.s32 $0x4  }
0x7: {  	s19 =	simm.s32 $0xC080;
	s20 =	simm.s32 $0x3;
	s21 =	simm.s32 $0x0  }
0x8: {  	s7 =	sand.u32 $0x1, s4;
	[smem:$0x7FF] =	sst s3;
	s30 =	sshll.u32 s1, $0x16  }
.Ltmp0:
0x9: {  	s5 =	sshll.u32 s7, $0x15;
	_ =	strace $0x8000004A;
	(pc) =	sbr.rel .LBB2_1-.Ltmp0, $4  }
0xa: {  	s8 =	ssub.s32 $0x2, s7;
	s4 =	sor.u32 s5, s30;
	s5 =	sadd.s32 $0xA00, s6  }
0xb: {  	s6 =	sadd.s32 $0xC00, s6;
	s9 =	sshrl.u32 s8, $0x1;
	s31 =	sshrl.u32 s4, $0x3  }
0xc: {  	s11 =	ssub.s32 s8, s9;
	s9 =	sor.u32 $0x8000, s4;
	s7 =	sadd.s32 s2, s31  }
0xd: {  	s10 =	sor.u32 $0xC000, s4;
	s11 =	smax.u32 s11, $0x1;
	s8 =	sadd.s32 $0x800, s7  }
.LBB2_12:
0xe: {  	s21 =	sadd.s32 $0x1, s21  }
0xf: {  	_ =	swait.ge [sflag:s20], $0x4000;
	p0 =	sne.s32 s21, s11  }
.Ltmp1:
0x10: {  	[sflag:s20] =	ssyncset.done $0x0;
	(pc) =	sbr.rel @!p0 .LBB2_13-.Ltmp1, $4  }
0x11: {  	[sflag:s20] =	ssyncadd.s32 $0xFFFFC000  }
0x12: {  	_ =	swait.ge [sflag:s18], $0x4000  }
0x13: {  	[sflag:s18] =	ssyncset.done $0x0  }
0x14: {  	[sflag:s18] =	ssyncadd.s32 $0xFFFFC000  }
.LBB2_1:
0x15: {  	[tilespmem:s3], [sflag:$0x5] =	stream.linear.gather [hbm4b:s5+s3], $0x80, $0x38;
	[tilespmem:$0x10080] =	vst v63  }
0x16: {  	_ =	swait.ge [sflag:s12], $0x80  }
0x17: {  	[sflag:s12] =	ssyncset.done $0x0  }
0x18: {  	[sflag:s12] =	ssyncadd.s32 $0xFFFFFF80  }
0x19: {  	v0 =	vld [tilespmem:$0x0];
	_ =	sdelay $0x3  }
0x1a: {  	[tilespmem:s13], [sflag:$0x1] =	stream.linear.gather [hbm4b:s7+s3], $0x4000, $0x38;
	[tilespmem:$0x10080] =	vst v63  }
0x1b: {  	s22 =	simm.s32 $0x0;
	v0 =	vmul.f32 v0, v0  }
0x1c: {  	[tilespmem:s14], [sflag:$0x2] =	stream.linear.gather [hbm4b:s8+s3], $0x4000, $0x38;
	[tilespmem:$0x10080] =	vst v63  }
.LBB2_2:
0x1d: {  	_ =	swait.ge [sflag:s15], $0x4000  }
0x1e: {  	p0 =	seq.s32 s22, $0x0;
	[sflag:s15] =	ssyncset.done $0x0  }
0x1f: {  	s23 =	simm.s32 @!p0 $0x3;
	[sflag:s15] =	ssyncadd.s32 $0xFFFFC000  }
0x20: {  	_ =	swait.ge @!p0 [sflag:s23], $0x4000  }
0x21: {  	[sflag:s23] =	ssyncset.done @!p0 $0x0  }
0x22: {  	s25 =	simm.s32 $0x0;
	[sflag:s23] =	ssyncadd.s32 @!p0 $0xFFFFC000  }
0x23: {  	v1 =	vld [tilespmem:s25+$0x170]  }
0x24: {  	v2 =	vld [tilespmem:s25+$0x80]  }
0x25: {  	v3 =	vld [tilespmem:s25+$0x90]  }
0x26: {  	v4 =	vld [tilespmem:s25+$0xA0]  }
0x27: {  	v7 =	vld [tilespmem:s25+$0xD0]  }
0x28: {  	v5 =	vld [tilespmem:s25+$0xB0];
	v1 =	vmul.f32 v1, v0  }
0x29: {  	v6 =	vld [tilespmem:s25+$0xC0];
	v2 =	vmul.f32 v2, v0  }
0x2a: {  	v8 =	vld [tilespmem:s25+$0xE0];
	[tilespmem:s25+$0x8170] =	vst v1;
	v1 =	vmul.f32 v3, v0  }
0x2b: {  	v9 =	vld [tilespmem:s25+$0xF0];
	[tilespmem:s25+$0x8080] =	vst v2;
	v2 =	vmul.f32 v4, v0  }
0x2c: {  	v3 =	vmul.f32 v7, v0;
	[tilespmem:s25+$0x8090] =	vst v1  }
0x2d: {  	v10 =	vld [tilespmem:s25+$0x100];
	v1 =	vmul.f32 v5, v0;
	[tilespmem:s25+$0x80A0] =	vst v2  }
0x2e: {  	v5 =	vld [tilespmem:s25+$0x110];
	v2 =	vmul.f32 v6, v0;
	[tilespmem:s25+$0x80D0] =	vst v3  }
0x2f: {  	v4 =	vmul.f32 v8, v0;
	[tilespmem:s25+$0x80B0] =	vst v1;
	v1 =	vld [tilespmem:s25+$0x120]  }
0x30: {  	v6 =	vmul.f32 v9, v0;
	[tilespmem:s25+$0x80C0] =	vst v2;
	v2 =	vld [tilespmem:s25+$0x130]  }
0x31: {  	v3 =	vld [tilespmem:s25+$0x140];
	[tilespmem:s25+$0x80E0] =	vst v4  }
0x32: {  	s23 =	sshll.u32 s22, $0xF;
	v4 =	vld [tilespmem:s25+$0x150];
	[tilespmem:s25+$0x80F0] =	vst v6;
	v6 =	vmul.f32 v10, v0  }
0x33: {  	s26 =	simm.s32 $0x100;
	s28 =	simm.s32 $0x800;
	s24 =	sor.u32 s4, s23;
	v7 =	vmul.f32 v5, v0;
	v5 =	vld [tilespmem:s25+$0x160]  }
.LBB2_3:
0x34: {  	p1 =	sne.s32 s28, $0xFC00;
	v8 =	vld [tilespmem:s26+$0x170];
	[tilespmem:s25+$0x8100] =	vst v6;
	v1 =	vmul.f32 v1, v0  }
0x35: {  	v6 =	vld [tilespmem:s26+$0x80];
	[tilespmem:s25+$0x8110] =	vst v7;
	v2 =	vmul.f32 v2, v0  }
0x36: {  	v7 =	vld [tilespmem:s26+$0x90];
	[tilespmem:s25+$0x8120] =	vst v1;
	v1 =	vmul.f32 v3, v0  }
0x37: {  	v3 =	vld [tilespmem:s26+$0xA0];
	[tilespmem:s25+$0x8130] =	vst v2;
	v2 =	vmul.f32 v4, v0  }
0x38: {  	v4 =	vld [tilespmem:s26+$0xB0];
	[tilespmem:s25+$0x8140] =	vst v1;
	v1 =	vmul.f32 v5, v0  }
0x39: {  	v5 =	vld [tilespmem:s26+$0xC0];
	v8 =	vmul.f32 v8, v0;
	[tilespmem:s25+$0x8150] =	vst v2  }
0x3a: {  	v2 =	vmul.f32 v6, v0;
	v6 =	vld [tilespmem:s26+$0xD0];
	[tilespmem:s25+$0x8160] =	vst v1;
	s25 =	smov.u32 s26  }
0x3b: {  	v1 =	vmul.f32 v7, v0;
	v7 =	vld [tilespmem:s25+$0xE0];
	[tilespmem:s25+$0x8170] =	vst v8  }
0x3c: {  	[tilespmem:s25+$0x8080] =	vst v2;
	v2 =	vmul.f32 v3, v0;
	v3 =	vld [tilespmem:s25+$0xF0]  }
0x3d: {  	[tilespmem:s25+$0x8090] =	vst v1;
	v1 =	vmul.f32 v4, v0;
	v4 =	vld [tilespmem:s25+$0x100]  }
0x3e: {  	[tilespmem:s25+$0x80A0] =	vst v2;
	v2 =	vmul.f32 v5, v0;
	v5 =	vld [tilespmem:s25+$0x110]  }
.Ltmp2:
0x3f: {  	[tilespmem:s25+$0x80B0] =	vst v1;
	v6 =	vmul.f32 v6, v0;
	v1 =	vld [tilespmem:s25+$0x120];
	(pc) =	sbr.rel @p1 .LBB2_3-.Ltmp2, $4  }
0x40: {  	[tilespmem:s25+$0x80C0] =	vst v2;
	v7 =	vmul.f32 v7, v0;
	v2 =	vld [tilespmem:s25+$0x130]  }
0x41: {  	[tilespmem:s25+$0x80D0] =	vst v6;
	v8 =	vmul.f32 v3, v0;
	v3 =	vld [tilespmem:s25+$0x140]  }
0x42: {  	[tilespmem:s25+$0x80E0] =	vst v7;
	v6 =	vmul.f32 v4, v0;
	v4 =	vld [tilespmem:s25+$0x150]  }
0x43: {  	s26 =	sshra.s32 s28, $0x2;
	s28 =	sadd.s32 $0x400, s28;
	[tilespmem:s25+$0x80F0] =	vst v8;
	v7 =	vmul.f32 v5, v0;
	v5 =	vld [tilespmem:s25+$0x160]  }
0x44: {  	v8 =	vld [tilespmem:s26+$0x170];
	[tilespmem:s25+$0x8100] =	vst v6;
	v1 =	vmul.f32 v1, v0  }
0x45: {  	v6 =	vld [tilespmem:s26+$0x80];
	[tilespmem:s25+$0x8110] =	vst v7;
	v2 =	vmul.f32 v2, v0  }
0x46: {  	v7 =	vld [tilespmem:s26+$0x90];
	[tilespmem:s25+$0x8120] =	vst v1;
	v3 =	vmul.f32 v3, v0  }
0x47: {  	v1 =	vld [tilespmem:s26+$0xA0];
	[tilespmem:s25+$0x8130] =	vst v2;
	v4 =	vmul.f32 v4, v0  }
0x48: {  	v2 =	vld [tilespmem:s26+$0xB0];
	[tilespmem:s25+$0x8140] =	vst v3;
	v5 =	vmul.f32 v5, v0  }
0x49: {  	v3 =	vld [tilespmem:s26+$0xC0];
	[tilespmem:s25+$0x8150] =	vst v4;
	v8 =	vmul.f32 v8, v0  }
0x4a: {  	v4 =	vld [tilespmem:s26+$0xD0];
	[tilespmem:s25+$0x8160] =	vst v5;
	v57 =	vmul.f32 v6, v0  }
0x4b: {  	v58 =	vld [tilespmem:s26+$0xE0];
	[tilespmem:s26+$0x8170] =	vst v8;
	v7 =	vmul.f32 v7, v0  }
0x4c: {  	v59 =	vld [tilespmem:s26+$0xF0];
	[tilespmem:s26+$0x8080] =	vst v57;
	v1 =	vmul.f32 v1, v0  }
0x4d: {  	v60 =	vld [tilespmem:s26+$0x100];
	[tilespmem:s26+$0x8090] =	vst v7;
	v2 =	vmul.f32 v2, v0  }
0x4e: {  	[tilespmem:s26+$0x80A0] =	vst v1;
	v1 =	vld [tilespmem:s26+$0x110];
	v3 =	vmul.f32 v3, v0  }
0x4f: {  	[tilespmem:s26+$0x80B0] =	vst v2;
	v2 =	vld [tilespmem:s26+$0x120];
	v4 =	vmul.f32 v4, v0  }
0x50: {  	[tilespmem:s26+$0x80C0] =	vst v3;
	v3 =	vld [tilespmem:s26+$0x130];
	v6 =	vmul.f32 v58, v0  }
0x51: {  	v61 =	vld [tilespmem:s26+$0x140];
	v5 =	vmul.f32 v59, v0;
	[tilespmem:s26+$0x80D0] =	vst v4  }
0x52: {  	v62 =	vld [tilespmem:s26+$0x150];
	v7 =	vmul.f32 v60, v0;
	[tilespmem:s26+$0x80E0] =	vst v6  }
0x53: {  	v63 =	vld [tilespmem:s26+$0x160];
	[tilespmem:s26+$0x80F0] =	vst v5;
	v1 =	vmul.f32 v1, v0  }
0x54: {  	[tilespmem:s26+$0x8100] =	vst v7;
	v2 =	vmul.f32 v2, v0  }
0x55: {  	[tilespmem:s26+$0x8110] =	vst v1;
	v1 =	vmul.f32 v3, v0  }
0x56: {  	p1 =	sne.s32 s22, $0x3F;
	[tilespmem:s26+$0x8120] =	vst v2;
	v2 =	vmul.f32 v61, v0  }
.Ltmp3:
0x57: {  	[tilespmem:s26+$0x8130] =	vst v1;
	v1 =	vmul.f32 v62, v0;
	(pc) =	sbr.rel @p1 .LBB2_6-.Ltmp3, $4  }
0x58: {  	[tilespmem:s26+$0x8140] =	vst v2;
	v2 =	vmul.f32 v63, v0  }
0x59: {  	s24 =	sshrl.u32 s24, $0x3;
	[tilespmem:s26+$0x8150] =	vst v1  }
0x5a: {  	s31 =	sadd.s32 s6, s24;
	[tilespmem:s26+$0x8160] =	vst v2  }
0x5b: {  	[hbm4b:s31+s3] =	stream.linear.scatter [tilespmem:s16], [sflag:$0x3], $0x4000, $0x38;
	[tilespmem:$0x10080] =	vst v63  }
.Ltmp4:
0x5c: {  	(pc) =	sbr.rel .LBB2_7-.Ltmp4, $4  }
0x5d: {  	_ = 	snop  }
0x5e: {  	_ =	swait.ge [sflag:s17], $0x4000  }
0x5f: {  	[sflag:s17] =	ssyncset.done $0x0  }
0x60: {  	[sflag:s17] =	ssyncadd.s32 $0xFFFFC000  }
.LBB2_6:
0x61: {  	s25 =	sadd.s32 s23, s9  }
0x62: {  	s25 =	sshrl.u32 s25, $0x3  }
.Ltmp5:
0x63: {  	s25 =	sadd.s32 s2, s25;
	(pc) =	sbr.rel @p0 .LBB2_8-.Ltmp5, $4  }
0x64: {  	[tilespmem:s13], [sflag:$0x1] =	stream.linear.gather [hbm4b:s25+s3], $0x4000, $0x38;
	[tilespmem:$0x10080] =	vst v63  }
0x65: {  	_ =	swait.ge [sflag:s17], $0x4000  }
0x66: {  	[sflag:s17] =	ssyncset.done $0x0  }
0x67: {  	[sflag:s17] =	ssyncadd.s32 $0xFFFFC000  }
.LBB2_7:
0x68: {  	_ =	swait.ge [sflag:s18], $0x4000  }
0x69: {  	[sflag:s18] =	ssyncset.done $0x0  }
0x6a: {  	[sflag:s18] =	ssyncadd.s32 $0xFFFFC000  }
.LBB2_8:
0x6b: {  	s25 =	simm.s32 $0x0  }
0x6c: {  	v1 =	vld [tilespmem:s25+$0x4170]  }
0x6d: {  	v2 =	vld [tilespmem:s25+$0x4080]  }
0x6e: {  	v3 =	vld [tilespmem:s25+$0x4090]  }
0x6f: {  	v4 =	vld [tilespmem:s25+$0x40A0]  }
0x70: {  	v7 =	vld [tilespmem:s25+$0x40D0]  }
0x71: {  	v5 =	vld [tilespmem:s25+$0x40B0];
	v1 =	vmul.f32 v1, v0  }
0x72: {  	v6 =	vld [tilespmem:s25+$0x40C0];
	v2 =	vmul.f32 v2, v0  }
0x73: {  	v8 =	vld [tilespmem:s25+$0x40E0];
	[tilespmem:s25+$0xC170] =	vst v1;
	v1 =	vmul.f32 v3, v0  }
0x74: {  	v9 =	vld [tilespmem:s25+$0x40F0];
	[tilespmem:s25+$0xC080] =	vst v2;
	v2 =	vmul.f32 v4, v0  }
0x75: {  	v3 =	vmul.f32 v7, v0;
	[tilespmem:s25+$0xC090] =	vst v1  }
0x76: {  	v10 =	vld [tilespmem:s25+$0x4100];
	v1 =	vmul.f32 v5, v0;
	[tilespmem:s25+$0xC0A0] =	vst v2  }
0x77: {  	v5 =	vld [tilespmem:s25+$0x4110];
	v2 =	vmul.f32 v6, v0;
	[tilespmem:s25+$0xC0D0] =	vst v3  }
0x78: {  	v4 =	vmul.f32 v8, v0;
	[tilespmem:s25+$0xC0B0] =	vst v1;
	v1 =	vld [tilespmem:s25+$0x4120]  }
0x79: {  	v6 =	vmul.f32 v9, v0;
	[tilespmem:s25+$0xC0C0] =	vst v2;
	v2 =	vld [tilespmem:s25+$0x4130]  }
0x7a: {  	v3 =	vld [tilespmem:s25+$0x4140];
	[tilespmem:s25+$0xC0E0] =	vst v4  }
0x7b: {  	v4 =	vld [tilespmem:s25+$0x4150];
	[tilespmem:s25+$0xC0F0] =	vst v6;
	v6 =	vmul.f32 v10, v0  }
0x7c: {  	s26 =	simm.s32 $0x100;
	s28 =	simm.s32 $0x800;
	v7 =	vmul.f32 v5, v0;
	v5 =	vld [tilespmem:s25+$0x4160]  }
.LBB2_9:
0x7d: {  	p0 =	sne.s32 s28, $0xFC00;
	v8 =	vld [tilespmem:s26+$0x4170];
	[tilespmem:s25+$0xC100] =	vst v6;
	v1 =	vmul.f32 v1, v0  }
0x7e: {  	v6 =	vld [tilespmem:s26+$0x4080];
	[tilespmem:s25+$0xC110] =	vst v7;
	v2 =	vmul.f32 v2, v0  }
0x7f: {  	v7 =	vld [tilespmem:s26+$0x4090];
	[tilespmem:s25+$0xC120] =	vst v1;
	v1 =	vmul.f32 v3, v0  }
0x80: {  	v3 =	vld [tilespmem:s26+$0x40A0];
	[tilespmem:s25+$0xC130] =	vst v2;
	v2 =	vmul.f32 v4, v0  }
0x81: {  	v4 =	vld [tilespmem:s26+$0x40B0];
	[tilespmem:s25+$0xC140] =	vst v1;
	v1 =	vmul.f32 v5, v0  }
0x82: {  	v5 =	vld [tilespmem:s26+$0x40C0];
	v8 =	vmul.f32 v8, v0;
	[tilespmem:s25+$0xC150] =	vst v2  }
0x83: {  	v2 =	vmul.f32 v6, v0;
	v6 =	vld [tilespmem:s26+$0x40D0];
	[tilespmem:s25+$0xC160] =	vst v1;
	s25 =	smov.u32 s26  }
0x84: {  	v1 =	vmul.f32 v7, v0;
	v7 =	vld [tilespmem:s25+$0x40E0];
	[tilespmem:s25+$0xC170] =	vst v8  }
0x85: {  	[tilespmem:s25+$0xC080] =	vst v2;
	v2 =	vmul.f32 v3, v0;
	v3 =	vld [tilespmem:s25+$0x40F0]  }
0x86: {  	[tilespmem:s25+$0xC090] =	vst v1;
	v1 =	vmul.f32 v4, v0;
	v4 =	vld [tilespmem:s25+$0x4100]  }
0x87: {  	[tilespmem:s25+$0xC0A0] =	vst v2;
	v2 =	vmul.f32 v5, v0;
	v5 =	vld [tilespmem:s25+$0x4110]  }
.Ltmp6:
0x88: {  	[tilespmem:s25+$0xC0B0] =	vst v1;
	v6 =	vmul.f32 v6, v0;
	v1 =	vld [tilespmem:s25+$0x4120];
	(pc) =	sbr.rel @p0 .LBB2_9-.Ltmp6, $4  }
0x89: {  	[tilespmem:s25+$0xC0C0] =	vst v2;
	v7 =	vmul.f32 v7, v0;
	v2 =	vld [tilespmem:s25+$0x4130]  }
0x8a: {  	[tilespmem:s25+$0xC0D0] =	vst v6;
	v8 =	vmul.f32 v3, v0;
	v3 =	vld [tilespmem:s25+$0x4140]  }
0x8b: {  	[tilespmem:s25+$0xC0E0] =	vst v7;
	v6 =	vmul.f32 v4, v0;
	v4 =	vld [tilespmem:s25+$0x4150]  }
0x8c: {  	s26 =	sshra.s32 s28, $0x2;
	s28 =	sadd.s32 $0x400, s28;
	[tilespmem:s25+$0xC0F0] =	vst v8;
	v7 =	vmul.f32 v5, v0;
	v5 =	vld [tilespmem:s25+$0x4160]  }
0x8d: {  	v8 =	vld [tilespmem:s26+$0x4170];
	[tilespmem:s25+$0xC100] =	vst v6;
	v1 =	vmul.f32 v1, v0  }
0x8e: {  	v6 =	vld [tilespmem:s26+$0x4080];
	[tilespmem:s25+$0xC110] =	vst v7;
	v2 =	vmul.f32 v2, v0  }
0x8f: {  	v7 =	vld [tilespmem:s26+$0x4090];
	[tilespmem:s25+$0xC120] =	vst v1;
	v3 =	vmul.f32 v3, v0  }
0x90: {  	v1 =	vld [tilespmem:s26+$0x40A0];
	[tilespmem:s25+$0xC130] =	vst v2;
	v4 =	vmul.f32 v4, v0  }
0x91: {  	v2 =	vld [tilespmem:s26+$0x40B0];
	[tilespmem:s25+$0xC140] =	vst v3;
	v5 =	vmul.f32 v5, v0  }
0x92: {  	v3 =	vld [tilespmem:s26+$0x40C0];
	[tilespmem:s25+$0xC150] =	vst v4;
	v8 =	vmul.f32 v8, v0  }
0x93: {  	v4 =	vld [tilespmem:s26+$0x40D0];
	[tilespmem:s25+$0xC160] =	vst v5;
	v57 =	vmul.f32 v6, v0  }
0x94: {  	v58 =	vld [tilespmem:s26+$0x40E0];
	[tilespmem:s26+$0xC170] =	vst v8;
	v7 =	vmul.f32 v7, v0  }
0x95: {  	v59 =	vld [tilespmem:s26+$0x40F0];
	[tilespmem:s26+$0xC080] =	vst v57;
	v1 =	vmul.f32 v1, v0  }
0x96: {  	v60 =	vld [tilespmem:s26+$0x4100];
	[tilespmem:s26+$0xC090] =	vst v7;
	v2 =	vmul.f32 v2, v0  }
0x97: {  	[tilespmem:s26+$0xC0A0] =	vst v1;
	v1 =	vld [tilespmem:s26+$0x4110];
	v3 =	vmul.f32 v3, v0  }
0x98: {  	[tilespmem:s26+$0xC0B0] =	vst v2;
	v2 =	vld [tilespmem:s26+$0x4120];
	v4 =	vmul.f32 v4, v0  }
0x99: {  	[tilespmem:s26+$0xC0C0] =	vst v3;
	v3 =	vld [tilespmem:s26+$0x4130];
	v6 =	vmul.f32 v58, v0  }
0x9a: {  	v61 =	vld [tilespmem:s26+$0x4140];
	v5 =	vmul.f32 v59, v0;
	[tilespmem:s26+$0xC0D0] =	vst v4  }
0x9b: {  	v62 =	vld [tilespmem:s26+$0x4150];
	v7 =	vmul.f32 v60, v0;
	[tilespmem:s26+$0xC0E0] =	vst v6  }
0x9c: {  	v63 =	vld [tilespmem:s26+$0x4160];
	[tilespmem:s26+$0xC0F0] =	vst v5;
	v1 =	vmul.f32 v1, v0  }
0x9d: {  	[tilespmem:s26+$0xC100] =	vst v7;
	v2 =	vmul.f32 v2, v0  }
0x9e: {  	[tilespmem:s26+$0xC110] =	vst v1;
	v1 =	vmul.f32 v3, v0  }
0x9f: {  	p0 =	seq.s32 s22, $0x3F;
	[tilespmem:s26+$0xC120] =	vst v2;
	v2 =	vmul.f32 v61, v0  }
.Ltmp7:
0xa0: {  	[tilespmem:s26+$0xC130] =	vst v1;
	v1 =	vmul.f32 v62, v0;
	(pc) =	sbr.rel @p0 .LBB2_12-.Ltmp7, $4  }
0xa1: {  	[tilespmem:s26+$0xC140] =	vst v2;
	v2 =	vmul.f32 v63, v0  }
0xa2: {  	s24 =	sadd.s32 s24, s6;
	[tilespmem:s26+$0xC150] =	vst v1  }
0xa3: {  	s24 =	sadd.s32 $0x800, s24;
	[tilespmem:s26+$0xC160] =	vst v2  }
0xa4: {  	[hbm4b:s24+s3] =	stream.linear.scatter [tilespmem:s19], [sflag:$0x4], $0x4000, $0x38;
	[tilespmem:$0x10080] =	vst v63  }
.Ltmp8:
0xa5: {  	(pc) =	sbr.rel .LBB2_2-.Ltmp8, $4  }
0xa6: {  	s23 =	sadd.s32 s23, s10  }
0xa7: {  	s23 =	sshrl.u32 s23, $0x3  }
0xa8: {  	s22 =	sadd.s32 $0x1, s22;
	s23 =	sadd.s32 s2, s23  }
0xa9: {  	[tilespmem:s14], [sflag:$0x2] =	stream.linear.gather [hbm4b:s23+s3], $0x4000, $0x38;
	[tilespmem:$0x10080] =	vst v63  }
.LBB2_13:
0xaa: {  	_ =	sfence.sel $0x180000  }
0xab: {  	[bflag:$0x0] =	sbarrier.arrive $0xFFFF  }
0xac: {  	p0 =	sne.s32 s1, $0x0;
	_ =	strace $0x9000004A  }
0xad: {  	s0 =	sadd.s32 @!p0 $0x100000, s0;
	[bflag:$0x2] =	sbarrier.arrive $0xFFFF  }
0xae: {  	[sflag:s0] =	ssyncadd.tile.s32 @!p0 $0x1;
	_ =	shalt  }
.Lfunc_end2:
_tile_overlayer_lowered:
.L_overlay_start_2:
0xaf: {  	(tag) =	ssettag $0x2  }
0xb0: {  	s0 =	rddreg [dreg:$0x0];
	s2 =	stileid.u32  }
0xb1: {  	s1 =	rddreg [dreg:$0x1];
	p0 =	sne.s32 s2, $0x0  }
0xb2: {  	s3 =	rddreg [dreg:$0x2];
	[bflag:$0x3] =	sbarrier.arrive $0xFFFF;
	s2 =	simm.s32 @!p0 $0x1C05  }
0xb3: {  	[timem:s3], [sflag:s2] =	dma.local @!p0 [hbm:s0], s1  }
0xb4: {  	s0 =	simm.s32 @!p0 $0x5  }
0xb5: {  	_ =	swait.ge @!p0 [sflag:s0], s1  }
0xb6: {  	s1 =	ssub.s32 @!p0 $0x0, s1;
	[sflag:s0] =	ssyncset.done @!p0 $0x0  }
0xb7: {  	[sflag:s0] =	ssyncadd.s32 @!p0 s1  }
0xb8: {  	[bflag:$0x3] =	sbarrier.arrive $0xFFFF  }
0xb9: {  	_ =	shalt  }

// kernel: sparse-core-data-format-call.cloned.1.call-start
scs
called_computation_lowered:
.L_overlay_start_0:
0x0: {  	s2 =	sld [smem:$0x3FD9]  }
0x1: {  	s3 =	sld [smem:$0x3FFE];
	_ =	sdelay $0x1  }
0x2: {  	s1 =	srdreg.scid  }
0x3: {  	s0 =	sand.u32 $0x1, s1  }
0x4: {  	s19 =	sshll.u32 s0, $0xA;
	s2 =	sadd.s32 s3, s2  }
0x5: {  	s2 =	sadd.s32 s2, s19  }
0x6: {  	[smem:$0x3FC6] =	sst s2  }
0x7: {  	_ = 	snop  }
0x8: {  	s2 =	sld [smem:$0x3FC9]  }
0x9: {  	s20 =	sld [smem:$0x3FD0];
	(tm) =	ssettm $0x1  }
0xa: {  	s4 =	sld [smem:$0x3FFB];
	_ =	sdelay $0x3  }
0xb: {  	_ =	strace s4  }
0xc: {  	s4 =	sld [smem:$0x3FFC];
	_ =	sdelay $0x3  }
0xd: {  	_ =	strace s4  }
0xe: {  	s4 =	sld [smem:$0x3FFD];
	_ =	sdelay $0x3  }
0xf: {  	_ =	strace s4  }
0x10: {  	_ =	strace $0x8FFFFFFF  }
0x11: {  	s21 =	sld [smem:$0x3FDB];
	_ =	sdelay $0x1  }
0x12: {  	s5 =	simm.s32 $_scs_section_size  }
0x13: {  	s6 =	simm.s32 $_size__tile_overlayer_lowered;
	s7 =	simm.s32 $_tile_overlayer_lowered  }
0x14: {  	s24 =	simm.s32 $0x1BFF;
	s23 =	sshll.u32 s7, $0x1;
	s4 =	sadd.s32 s5, s21  }
0x15: {  	s8 =	simm.s32 $0x0;
	s22 =	sshll.u32 s6, $0x1;
	s6 =	sadd.s32 s23, s4  }
0x16: {  	[timem:s8], [sflag:s24] =	dma.local [hbm:s6], s22  }
0x17: {  	_ =	swait.ge [sflag:s24], s22  }
0x18: {  	s5 =	ssub.s32 $0x0, s22;
	[sflag:s24] =	ssyncset.done $0x0  }
0x19: {  	[sflag:s24] =	ssyncadd.s32 s5;
	_ =	sdelay $0x1  }
0x1a: {  	s25 =	simm.s32 $0x1B8B  }
0x1b: {  	_ =	swait.ge [sflag:s25], $0x1  }
0x1c: {  	[sflag:s25] =	ssyncset.done $0x0  }
0x1d: {  	s26 =	simm.s32 $0x1B8E;
	[sflag:s25] =	ssyncadd.s32 $0xFFFFFFFF  }
0x1e: {  	s27 =	simm.s32 $execute0_lowered;
	[smem:$0x3FD2] =	sst s26  }
0x1f: {  	s5 =	sshll.u32 s27, $0x1;
	_ =	strace $0x80000046;
	[dreg:$0x1] =	wrdreg $0xFFFFFFFF  }
0x20: {  	s28 =	simm.s32 $_size_execute0_lowered;
	s4 =	sadd.s32 s4, s5;
	[dreg:$0x0] =	wrdreg $0x0  }
0x21: {  	s5 =	sshll.u32 s28, $0x1;
	[dreg:$0x2] =	wrdreg s4  }
0x22: {  	[dreg:$0x3] =	wrdreg s5  }
0x23: {  	[dreg:$0x4] =	wrdreg $0xC0  }
0x24: {  	_ =	task [dreg:s8], $0x5FFFF  }
0x25: {  	[dreg:$0x1] =	wrdreg $0xFFFFFFFF  }
0x26: {  	[dreg:$0x0] =	wrdreg $0x60  }
0x27: {  	[dreg:$0x2] =	wrdreg s2  }
0x28: {  	[dreg:$0x3] =	wrdreg s20  }
0x29: {  	[dreg:$0x4] =	wrdreg $0x9  }
0x2a: {  	_ =	task.clear_ibuf [dreg:s8], $0x5FFFF;
	_ =	strace $0x90000046  }
0x2b: {  	s29 =	simm.s32 $0x9;
	_ =	strace $0x80000048  }
0x2c: {  	_ =	swait.ge [sflag:s29], $0x1  }
0x2d: {  	[sflag:s29] =	ssyncadd.s32 $0xFFFFFFFF  }
0x2e: {  	_ =	strace $0x90000048  }
0x2f: {  	_ =	sfence  }
0x30: {  	s30 =	sld [smem:$0x0];
	_ =	sdelay $0x2  }
0x31: {  	s31 =	sshll.u32 s1, $0xD;
	s1 =	sshrl.u32 s1, $0x2  }
0x32: {  	s3 =	sand.u32 $0x4000, s31;
	s1 =	sadd.s32 s1, s30  }
0x33: {  	s0 =	sor.u32 s3, s0;
	s1 =	sshll.u32 s1, $0x11  }
0x34: {  	s0 =	sor.u32 s1, s0  }
0x35: {  	s0 =	sadd.s32 $0x8F2B, s0  }
0x36: {  	[sflag:s0] =	ssyncadd.remote.s32 $0x1  }
0x37: {  	_ =	sfence.sel $0xFFFF  }
0x38: {  	[dreg:$0x0] =	wrdreg $0xFFFFFFFF;
	(pc) =	sbr.abs _section_cstart, $3  }
0x39: {  	[dreg:$0x1] =	wrdreg $0xFFFFFFFF  }
0x3a: {  	_ =	task.clear_ibuf [dreg:s8], $0x2FFFF;
	_ =	strace $0x9FFFFFFF  }
0x3b: {  	(tm) =	ssettm $0x7FFFFFFF  }
tec
execute0_lowered:
.L_overlay_start_1:
0x0: {  	(tag) =	ssettag $0x1  }
0x1: {  	s2 =	rddreg [dreg:$0x0]  }
0x2: {  	s3 =	rddreg [dreg:$0x1]  }
0x3: {  	s0 =	rddreg [dreg:$0x2];
	_ =	strace $0x80000047  }
0x4: {  	s4 =	srdreg.scid;
	s1 =	stileid.u32;
	s6 =	simm.s32 $0x2  }
.Ltmp0:
0x5: {  	s11 =	simm.s32 $0x0;
	p0 =	por $0x0, $0x0;
	(pc) =	sbr.rel .LBB1_1-.Ltmp0, $4  }
0x6: {  	s7 =	simm.s32 $0x1000;
	s12 =	simm.s32 $0x0;
	s5 =	sshll.u32 s4, $0x4  }
0x7: {  	s9 =	simm.s32 $0x0;
	s4 =	simm.s32 $0x1;
	s5 =	sand.u32 $0x10, s5  }
0x8: {  	s8 =	simm.s32 $0x0;
	[sflag:s4] =	ssyncpa.u1 $0x0;
	s5 =	sor.u32 s1, s5  }
0x9: {  	[sflag:s6] =	ssyncpa.u1 $0x0;
	s6 =	simm.s32 $0x800;
	s10 =	smov.u32 s5  }
.LBB1_7:
0xa: {  	s13 =	sadd.s32 $0x10, s9  }
0xb: {  	s11 =	sadd.s32 $0x20, s10;
	s15 =	smov.u32 s10;
	p2 =	sgt.s32 s13, $0x1F  }
0xc: {  	p1 =	slt.u32 s8, $0x2;
	s15 =	smov.u32 @p2 s11  }
0xd: {  	s8 =	sadd.s32 $0x1, s8;
	s13 =	simm.s32 @p2 $0x0;
	p2 =	sgt.s32 s15, $0x7FF  }
0xe: {  	s15 =	smov.u32 @p2 s5;
	p2 =	sne.s32 s8, $0x82  }
.Ltmp1:
0xf: {  	_ = 	snop;
	(pc) =	sbr.rel @!p2 .LBB1_8-.Ltmp1, $4  }
0x10: {  	s14 =	simm.s32 @!p1 $0x2  }
0x11: {  	s12 =	smov.u32 s10;
	_ =	swait.ge @!p1 [sflag:s14], $0x4000  }
0x12: {  	p0 =	por !p0, !p0;
	s11 =	smov.u32 s9;
	[sflag:s14] =	ssyncset.done @!p1 $0x0  }
0x13: {  	s9 =	smov.u32 s13;
	[sflag:s14] =	ssyncadd.s32 @!p1 $0xFFFFC000;
	s10 =	smov.u32 s15  }
.LBB1_1:
0x14: {  	p1 =	sgt.u32 s8, $0x7F  }
0x15: {  	s13 =	sxor.u32 @!p1 $0xFFFFFFFF, s8;
	s14 =	sshll.u32 @!p1 s10, $0xC  }
0x16: {  	s15 =	sshll.u32 @!p1 s9, $0x7;
	s13 =	sshll.u32 @!p1 s13, $0xE;
	s14 =	sadd.s32 @!p1 s2, s14  }
0x17: {  	s13 =	sand.u32 @!p1 $0x4000, s13;
	s14 =	sadd.s32 @!p1 s15, s14;
	s15 =	simm.s32 @!p1 $0x0  }
0x18: {  	[tilespmem:s13], [sflag:$0x1] =	stream.linear.gather @!p1 [hbm4b:s14+s15], $0x4000, $0x38;
	[tilespmem:$0x10000] =	vst v63  }
0x19: {  	p1 =	seq.s32 s8, $0x0  }
0x1a: {  	p2 =	seq.s32 @!p1 s8, $0x81  }
0x1b: {  	p1 =	por p1, p2  }
.Ltmp2:
0x1c: {  	_ = 	snop;
	(pc) =	sbr.rel @p1 .LBB1_7-.Ltmp2, $1  }
0x1d: {  	_ =	sdelay $0x3  }
0x1e: {  	s13 =	simm.s32 $0x1;
	_ =	swait.ge [sflag:s4], $0x4000;
	s16 =	sshll.u32 s8, $0xE  }
0x1f: {  	s13 =	simm.s32 @!p0 $0x0;
	[sflag:s4] =	ssyncset.done $0x0;
	s31 =	sand.u32 $0x4000, s16  }
0x20: {  	s16 =	simm.s32 $0x0;
	s14 =	sshll.u32 s13, $0xE;
	[sflag:s4] =	ssyncadd.s32 $0xFFFFC000  }
0x21: {  	s13 =	sor.u32 $0x8040, s14;
	s15 =	sor.u32 $0x40, s14;
	s14 =	sor.u32 $0x8000, s31  }
.LBB1_3:
0x22: {  	v0 =	vmov s15;
	_ =	sdelay $0x3  }
0x23: {  	s18 =	simm.s32 $0x0  }
0x24: {  	v6 =	vld.idx.msk [tilespmem:v0+s18+$0x30 ss:$0x1], $0xffff  }
0x25: {  	v7 =	vld.idx.msk [tilespmem:v0+s18+$0xFFFFFFC0 ss:$0x1], $0xffff  }
0x26: {  	v5 =	vld.idx.msk [tilespmem:v0+s18+$0xFFFFFFD0 ss:$0x1], $0xffff  }
0x27: {  	v4 =	vld.idx.msk [tilespmem:v0+s18+$0xFFFFFFE0 ss:$0x1], $0xffff  }
0x28: {  	v3 =	vld.idx.msk [tilespmem:v0+s18+$0xFFFFFFF0 ss:$0x1], $0xffff  }
0x29: {  	v1 =	vld.idx.msk [tilespmem:v0+s18+$0x0 ss:$0x1], $0xffff  }
0x2a: {  	v2 =	vld.idx.msk [tilespmem:v0+s18+$0x10 ss:$0x1], $0xffff;
	[tilespmem:s13+$0x30] =	vst v6  }
0x2b: {  	s17 =	simm.s32 $0x80;
	s19 =	simm.s32 $0x400;
	[tilespmem:s13+$0xFFFFFFC0] =	vst v7;
	v6 =	vld.idx.msk [tilespmem:v0+s18+$0x20 ss:$0x1], $0xffff;
	s18 =	smov.u32 s13  }
.LBB1_4:
0x2c: {  	p1 =	sne.s32 s19, $0xE00;
	v7 =	vld.idx.msk [tilespmem:v0+s17+$0x30 ss:$0x1], $0xffff;
	[tilespmem:s18+$0xFFFFFFD0] =	vst v5  }
0x2d: {  	v8 =	vld.idx.msk [tilespmem:v0+s17+$0xFFFFFFC0 ss:$0x1], $0xffff;
	[tilespmem:s18+$0xFFFFFFE0] =	vst v4  }
0x2e: {  	v5 =	vld.idx.msk [tilespmem:v0+s17+$0xFFFFFFD0 ss:$0x1], $0xffff;
	[tilespmem:s18+$0xFFFFFFF0] =	vst v3  }
.Ltmp3:
0x2f: {  	v4 =	vld.idx.msk [tilespmem:v0+s17+$0xFFFFFFE0 ss:$0x1], $0xffff;
	[tilespmem:s18+$0x0] =	vst v1;
	(pc) =	sbr.rel @p1 .LBB1_4-.Ltmp3, $4  }
0x30: {  	v3 =	vld.idx.msk [tilespmem:v0+s17+$0xFFFFFFF0 ss:$0x1], $0xffff;
	[tilespmem:s18+$0x10] =	vst v2  }
0x31: {  	v1 =	vld.idx.msk [tilespmem:v0+s17+$0x0 ss:$0x1], $0xffff;
	[tilespmem:s18+$0x20] =	vst v6;
	s18 =	sadd.s32 $0x800, s18  }
0x32: {  	v2 =	vld.idx.msk [tilespmem:v0+s17+$0x10 ss:$0x1], $0xffff;
	[tilespmem:s18+$0x30] =	vst v7  }
0x33: {  	[tilespmem:s18+$0xFFFFFFC0] =	vst v8;
	v6 =	vld.idx.msk [tilespmem:v0+s17+$0x20 ss:$0x1], $0xffff;
	s17 =	sshra.s32 s19, $0x2;
	s19 =	sadd.s32 $0x200, s19  }
0x34: {  	_ =	sdelay $0x2  }
0x35: {  	[tilespmem:s18+$0xFFFFFFD0] =	vst v5  }
0x36: {  	v56 =	vld.idx.msk [tilespmem:v0+s17+$0x30 ss:$0x1], $0xffff;
	[tilespmem:s18+$0xFFFFFFE0] =	vst v4  }
0x37: {  	v57 =	vld.idx.msk [tilespmem:v0+s17+$0xFFFFFFC0 ss:$0x1], $0xffff;
	[tilespmem:s18+$0xFFFFFFF0] =	vst v3  }
0x38: {  	v58 =	vld.idx.msk [tilespmem:v0+s17+$0xFFFFFFD0 ss:$0x1], $0xffff;
	[tilespmem:s18+$0x0] =	vst v1  }
0x39: {  	v59 =	vld.idx.msk [tilespmem:v0+s17+$0xFFFFFFE0 ss:$0x1], $0xffff;
	[tilespmem:s18+$0x10] =	vst v2  }
0x3a: {  	v60 =	vld.idx.msk [tilespmem:v0+s17+$0xFFFFFFF0 ss:$0x1], $0xffff;
	s31 =	sadd.s32 $0x800, s18;
	[tilespmem:s18+$0x20] =	vst v6  }
0x3b: {  	v61 =	vld.idx.msk [tilespmem:v0+s17+$0x0 ss:$0x1], $0xffff;
	[tilespmem:s31+$0x30] =	vst v56  }
0x3c: {  	v62 =	vld.idx.msk [tilespmem:v0+s17+$0x10 ss:$0x1], $0xffff;
	s16 =	sadd.s32 $0x1, s16;
	[tilespmem:s31+$0xFFFFFFC0] =	vst v57  }
0x3d: {  	v63 =	vld.idx.msk [tilespmem:v0+s17+$0x20 ss:$0x1], $0xffff;
	p1 =	sne.s32 s16, $0x10;
	[tilespmem:s31+$0xFFFFFFD0] =	vst v58  }
.Ltmp4:
0x3e: {  	[tilespmem:s31+$0xFFFFFFE0] =	vst v59;
	(pc) =	sbr.rel @p1 .LBB1_3-.Ltmp4, $4  }
0x3f: {  	[tilespmem:s31+$0xFFFFFFF0] =	vst v60  }
0x40: {  	[tilespmem:s31+$0x0] =	vst v61  }
0x41: {  	[tilespmem:s31+$0x10] =	vst v62  }
0x42: {  	s13 =	sadd.s32 $0x80, s13;
	s15 =	sadd.s32 $0x400, s15;
	[tilespmem:s31+$0x20] =	vst v63  }
.Ltmp5:
0x43: {  	(pc) =	sbr.rel .LBB1_7-.Ltmp5, $4  }
0x44: {  	s12 =	sshll.u32 s12, $0xC;
	s11 =	sshll.u32 s11, $0x4  }
0x45: {  	s11 =	sand.u32 $0x1F0, s11;
	s12 =	sadd.s32 s3, s12  }
0x46: {  	s11 =	sadd.s32 s11, s12  }
0x47: {  	[hbm4b:s11+s6] =	stream.strided.scatter [tilespmem:s14], [sflag:$0x2], $0x4000, s7, s6, $0x38;
	[tilespmem:$0x10000] =	vst v63  }
.LBB1_8:
0x48: {  	_ =	sfence.sel $0x180000  }
0x49: {  	s2 =	simm.s32 $0x1;
	[bflag:$0x0] =	sbarrier.arrive $0xFFFF  }
0x4a: {  	s31 =	simm.s32 $0x2;
	[sflag:s2] =	ssyncpa.u1 $0x1  }
0x4b: {  	[sflag:s31] =	ssyncpa.u1 $0x1  }
0x4c: {  	p0 =	sne.s32 s1, $0x0;
	_ =	strace $0x90000047  }
0x4d: {  	s0 =	sadd.s32 @!p0 $0x100000, s0;
	[bflag:$0x2] =	sbarrier.arrive $0xFFFF  }
0x4e: {  	[sflag:s0] =	ssyncadd.tile.s32 @!p0 $0x1;
	_ =	shalt  }
.Lfunc_end1:
_tile_overlayer_lowered:
.L_overlay_start_2:
0x4f: {  	(tag) =	ssettag $0x2  }
0x50: {  	s0 =	rddreg [dreg:$0x0];
	s2 =	stileid.u32  }
0x51: {  	s1 =	rddreg [dreg:$0x1];
	p0 =	sne.s32 s2, $0x0  }
0x52: {  	s3 =	rddreg [dreg:$0x2];
	[bflag:$0x3] =	sbarrier.arrive $0xFFFF;
	s2 =	simm.s32 @!p0 $0x1C01  }
0x53: {  	[timem:s3], [sflag:s2] =	dma.local @!p0 [hbm:s0], s1  }
0x54: {  	s0 =	simm.s32 @!p0 $0x1  }
0x55: {  	_ =	swait.ge @!p0 [sflag:s0], s1  }
0x56: {  	s1 =	ssub.s32 @!p0 $0x0, s1;
	[sflag:s0] =	ssyncset.done @!p0 $0x0  }
0x57: {  	[sflag:s0] =	ssyncadd.s32 @!p0 s1  }
0x58: {  	[bflag:$0x3] =	sbarrier.arrive $0xFFFF  }
0x59: {  	_ =	shalt  }

</sc_bundles>
